<compile_context>
chip_gen: v7x
topology: tpu7x:2x2x1
jax: 0.10.2.dev20260603
libtpu: 0.0.44.dev20260713+nightly
codegen_flags: <defaults>
</compile_context>

<pallas_src>
import functools

import jax
import jax.numpy as jnp
from jax import lax
from jax.experimental import pallas as pl
from jax.experimental.pallas import tpu as pltpu
from jax.experimental.pallas import tpu_sc as plsc

_NC = 2
_NS = 16
_CH = 128
_NB = 3


def _build_table_body(cm_ref, w_ref, t_ref):
    Wm = w_ref[:]
    V, D = Wm.shape
    cm = cm_ref[:]
    vv = lax.broadcasted_iota(jnp.int32, (V, V), 1)
    onehot = (cm == vv).astype(jnp.float32)
    wrc = jnp.dot(onehot, Wm, preferred_element_type=jnp.float32,
                  precision=lax.Precision.HIGHEST)
    ii = lax.broadcasted_iota(jnp.int32, (D, D), 0)
    jj = lax.broadcasted_iota(jnp.int32, (D, D), 1)
    rev = (ii + jj == D - 1).astype(jnp.float32)
    rcrev = jnp.dot(wrc, rev, preferred_element_type=jnp.float32,
                    precision=lax.Precision.HIGHEST)
    NW = t_ref.shape[0]
    t_ref[:, :, 0:D] = jnp.broadcast_to(Wm, (NW, V, D))
    t_ref[:, :, D:2 * D] = jnp.broadcast_to(rcrev, (NW, V, D))


def kernel(input_ids, W, complement_map):
    Bb, S = input_ids.shape
    V, D = W.shape
    NT = Bb * S
    NW = _NC * _NS
    TPW = NT // NW
    NCH = TPW // _CH
    ROW = 2 * D

    table_rep = pl.pallas_call(
        _build_table_body,
        out_shape=jax.ShapeDtypeStruct((NW, V, ROW), jnp.float32),
    )(complement_map.reshape(V, 1), W)

    ids_flat = input_ids.reshape(NT)
    table_flat = table_rep.reshape(NW * V, ROW)

    mesh = plsc.VectorSubcoreMesh(
        core_axis_name="c", subcore_axis_name="s",
        num_cores=_NC, num_subcores=_NS)

    @functools.partial(
        pl.kernel,
        out_type=jax.ShapeDtypeStruct((NT, ROW), jnp.float32),
        mesh=mesh,
        scratch_types=[
            pltpu.VMEM((TPW,), jnp.int32),
            [pltpu.VMEM((_CH, ROW), jnp.float32)] * _NB,
            [pltpu.SemaphoreType.DMA] * _NB,
            [pltpu.SemaphoreType.DMA] * _NB,
        ],
    )
    def sc_embed(t_hbm, ids_hbm, out_hbm, idx_v, bufs, gsem, ssem):
        c = lax.axis_index("c")
        sb = lax.axis_index("s")
        wid = sb * _NC + c
        base = wid * TPW
        pltpu.sync_copy(ids_hbm.at[pl.ds(base, TPW)], idx_v)
        off = wid * V
        for i in range(TPW // 16):
            sl = pl.ds(i * 16, 16)
            idx_v[sl] = idx_v[sl] + off

        def start_gather(g):
            return pltpu.async_copy(
                t_hbm.at[idx_v.at[pl.ds(g * _CH, _CH)]],
                bufs[g % _NB], gsem[g % _NB])

        def start_scatter(g):
            return pltpu.async_copy(
                bufs[g % _NB], out_hbm.at[pl.ds(base + g * _CH, _CH)],
                ssem[g % _NB])

        gathers = [None] * NCH
        scatters = [None] * NCH
        for g in range(min(_NB - 1, NCH)):
            gathers[g] = start_gather(g)
        for g in range(NCH):
            gathers[g].wait()
            scatters[g] = start_scatter(g)
            n = g + _NB - 1
            if n < NCH:
                if g >= 1:
                    scatters[g - 1].wait()
                gathers[n] = start_gather(n)
        for g in range(max(0, NCH - _NB), NCH):
            scatters[g].wait()

    out = sc_embed(table_flat, ids_flat)
    return out.reshape(Bb, S, ROW)

# --- scband reference (transcript-rebuilt; emitter-appended) ---
"""Pipeline reference for scband-rcpsembedding-32366873542784 (READ-ONLY COPY).

The authoritative reference and input builder live on the scoring server;
editing this copy changes nothing except your own understanding.
"""

import jax, jax.numpy as jnp
import numpy as np

B, S, VOCAB, D = 4, 8192, 16, 128


def setup_inputs(seed: int = 0) -> dict:
    key = jax.random.key(seed)
    k1, k2 = jax.random.split(key)
    input_ids = jax.random.randint(k1, (B, S), 0, VOCAB, dtype=jnp.int32)
    W = jax.random.normal(k2, (VOCAB, D), dtype=jnp.float32)
    complement_map = jnp.array([0, 1, 2, 3, 4, 5, 6, 10, 9, 8, 7, 11, 12, 13, 14, 15], dtype=jnp.int32)
    return {"input_ids": input_ids, "W": W, "complement_map": complement_map}


def reference(input_ids, W, complement_map):
    # Forward embedding lookup: (B, S, D)
    fwd_out = jnp.take(W, input_ids, axis=0)
    # Reverse-complement: flip along length, then complement token ids
    rc_ids = jnp.take(complement_map, jnp.flip(input_ids, axis=-1), axis=0)
    # Embed rc ids, then flip along both seq dim and channel dim
    rc_out = jnp.flip(jnp.take(W, rc_ids, axis=0), axis=(-2, -1))
    # Concatenate to double the channel dimension: (B, S, 2*D)
    return jnp.concatenate([fwd_out, rc_out], axis=-1)

if __name__ == "__main__":
    import jax
    _d = setup_inputs()
    print(jax.jit(kernel)(*tuple(_d.values())))

</pallas_src>

<mosaic_0001>
#map = affine_map<(d0, d1) -> (0, 0)>
#map1 = affine_map<(d0, d1) -> (0)>
module attributes {stable_mosaic.version = 14 : i64} {
  func.func @sc_embed(%arg0: i32, %arg1: i32, %arg2: memref<512x256xf32, #tpu.memory_space<hbm>>, %arg3: memref<32768xi32, #tpu.memory_space<hbm>>, %arg4: memref<32768x256xf32, #tpu.memory_space<hbm>>, %arg5: memref<1024xi32, #tpu.memory_space<vmem>>, %arg6: memref<128x256xf32, #tpu.memory_space<vmem>>, %arg7: memref<128x256xf32, #tpu.memory_space<vmem>>, %arg8: memref<128x256xf32, #tpu.memory_space<vmem>>, %arg9: memref<!tpu.dma_semaphore, #tpu.memory_space<semaphore_mem>>, %arg10: memref<!tpu.dma_semaphore, #tpu.memory_space<semaphore_mem>>, %arg11: memref<!tpu.dma_semaphore, #tpu.memory_space<semaphore_mem>>, %arg12: memref<!tpu.dma_semaphore, #tpu.memory_space<semaphore_mem>>, %arg13: memref<!tpu.dma_semaphore, #tpu.memory_space<semaphore_mem>>, %arg14: memref<!tpu.dma_semaphore, #tpu.memory_space<semaphore_mem>>) attributes {dimension_semantics = [#tpu.dimension_semantics<core_parallel>, #tpu.dimension_semantics<subcore_parallel>], iteration_bounds = array<i64: 2, 16>, scalar_prefetch = 0 : i64, scratch_operands = 10 : i64, tpu.core_type = #tpu.core_type<sc_vector_subcore>, window_params = [{transform_indices = #map}, {transform_indices = #map1}, {transform_indices = #map}]} {
    %mul3A = arith.constant 2 : i32
    %mul3A_0 = arith.muli %arg1, %mul3A : i32
    %add3A = arith.addi %mul3A_0, %arg0 : i32
    %mul3A_1 = arith.constant 1024 : i32
    %mul3A_2 = arith.muli %add3A, %mul3A_1 : i32
    "tpu.region"() ({
      %run_scoped3A = tpu.sem_alloc : memref<!tpu.dma_semaphore, #tpu.memory_space<semaphore_mem>>
      %dma_start3A_737 = tpu.memref_slice %arg3[%mul3A_2] : memref<32768xi32, #tpu.memory_space<hbm>> -> memref<1024xi32, #tpu.memory_space<hbm>>
      %dma_start3A_738 = tpu.memref_slice %arg3[%mul3A_2] : memref<32768xi32, #tpu.memory_space<hbm>> -> memref<1024xi32, #tpu.memory_space<hbm>>
      tpu.enqueue_dma source(%dma_start3A_738 : memref<1024xi32, #tpu.memory_space<hbm>>) target(%arg5 : memref<1024xi32, #tpu.memory_space<vmem>>) target_semaphore(%run_scoped3A : memref<!tpu.dma_semaphore, #tpu.memory_space<semaphore_mem>>)
      %dma_wait3A_739 = tpu.memref_slice %arg3[%mul3A_2] : memref<32768xi32, #tpu.memory_space<hbm>> -> memref<1024xi32, #tpu.memory_space<hbm>>
      %dma_wait3A_740 = tpu.memref_slice %arg3[%mul3A_2] : memref<32768xi32, #tpu.memory_space<hbm>> -> memref<1024xi32, #tpu.memory_space<hbm>>
      tpu.wait_dma2 semaphore(%run_scoped3A : memref<!tpu.dma_semaphore, #tpu.memory_space<semaphore_mem>>) src(%dma_wait3A_740 : memref<1024xi32, #tpu.memory_space<hbm>>) dst(%arg5 : memref<1024xi32, #tpu.memory_space<vmem>>)
      tpu.yield
    }) : () -> ()
    %mul3A_3 = arith.constant 16 : i32
    %mul3A_4 = arith.muli %add3A, %mul3A_3 : i32
    %get3A = arith.constant 0 : index
    %get3A_5 = tpu.vector_load %arg5[%get3A] {strides = array<i32>} : memref<1024xi32, #tpu.memory_space<vmem>>, vector<16xi32>,
    %get3A_6 = vector.shape_cast %get3A_5 : vector<16xi32> to vector<16xi32>
    %add3A_7 = vector.broadcast %mul3A_4 : i32 to vector<16xi32>
    %add3A_8 = arith.addi %get3A_6, %add3A_7 : vector<16xi32>
    %swap3A = arith.constant 0 : index
    %swap3A_9 = tpu.vector_load %arg5[%swap3A] {strides = array<i32>} : memref<1024xi32, #tpu.memory_space<vmem>>, vector<16xi32>,
    %swap3A_10 = vector.shape_cast %swap3A_9 : vector<16xi32> to vector<16xi32>
    %swap3A_11 = vector.shape_cast %add3A_8 : vector<16xi32> to vector<16xi32>
    tpu.vector_store %arg5[%swap3A], %swap3A_11 {strides = array<i32>} : memref<1024xi32, #tpu.memory_space<vmem>>, vector<16xi32>,
    %get3A_12 = arith.constant 16 : index
    %get3A_13 = tpu.vector_load %arg5[%get3A_12] {strides = array<i32>} : memref<1024xi32, #tpu.memory_space<vmem>>, vector<16xi32>,
    %get3A_14 = vector.shape_cast %get3A_13 : vector<16xi32> to vector<16xi32>
    %add3A_15 = vector.broadcast %mul3A_4 : i32 to vector<16xi32>
    %add3A_16 = arith.addi %get3A_14, %add3A_15 : vector<16xi32>
    %swap3A_17 = arith.constant 16 : index
    %swap3A_18 = tpu.vector_load %arg5[%swap3A_17] {strides = array<i32>} : memref<1024xi32, #tpu.memory_space<vmem>>, vector<16xi32>,
    %swap3A_19 = vector.shape_cast %swap3A_18 : vector<16xi32> to vector<16xi32>
    %swap3A_20 = vector.shape_cast %add3A_16 : vector<16xi32> to vector<16xi32>
    tpu.vector_store %arg5[%swap3A_17], %swap3A_20 {strides = array<i32>} : memref<1024xi32, #tpu.memory_space<vmem>>, vector<16xi32>,
    %get3A_21 = arith.constant 32 : index
    %get3A_22 = tpu.vector_load %arg5[%get3A_21] {strides = array<i32>} : memref<1024xi32, #tpu.memory_space<vmem>>, vector<16xi32>,
    %get3A_23 = vector.shape_cast %get3A_22 : vector<16xi32> to vector<16xi32>
    %add3A_24 = vector.broadcast %mul3A_4 : i32 to vector<16xi32>
    %add3A_25 = arith.addi %get3A_23, %add3A_24 : vector<16xi32>
    %swap3A_26 = arith.constant 32 : index
    %swap3A_27 = tpu.vector_load %arg5[%swap3A_26] {strides = array<i32>} : memref<1024xi32, #tpu.memory_space<vmem>>, vector<16xi32>,
    %swap3A_28 = vector.shape_cast %swap3A_27 : vector<16xi32> to vector<16xi32>
    %swap3A_29 = vector.shape_cast %add3A_25 : vector<16xi32> to vector<16xi32>
    tpu.vector_store %arg5[%swap3A_26], %swap3A_29 {strides = array<i32>} : memref<1024xi32, #tpu.memory_space<vmem>>, vector<16xi32>,
    %get3A_30 = arith.constant 48 : index
    %get3A_31 = tpu.vector_load %arg5[%get3A_30] {strides = array<i32>} : memref<1024xi32, #tpu.memory_space<vmem>>, vector<16xi32>,
    %get3A_32 = vector.shape_cast %get3A_31 : vector<16xi32> to vector<16xi32>
    %add3A_33 = vector.broadcast %mul3A_4 : i32 to vector<16xi32>
    %add3A_34 = arith.addi %get3A_32, %add3A_33 : vector<16xi32>
    %swap3A_35 = arith.constant 48 : index
    %swap3A_36 = tpu.vector_load %arg5[%swap3A_35] {strides = array<i32>} : memref<1024xi32, #tpu.memory_space<vmem>>, vector<16xi32>,
    %swap3A_37 = vector.shape_cast %swap3A_36 : vector<16xi32> to vector<16xi32>
    %swap3A_38 = vector.shape_cast %add3A_34 : vector<16xi32> to vector<16xi32>
    tpu.vector_store %arg5[%swap3A_35], %swap3A_38 {strides = array<i32>} : memref<1024xi32, #tpu.memory_space<vmem>>, vector<16xi32>,
    %get3A_39 = arith.constant 64 : index
    %get3A_40 = tpu.vector_load %arg5[%get3A_39] {strides = array<i32>} : memref<1024xi32, #tpu.memory_space<vmem>>, vector<16xi32>,
    %get3A_41 = vector.shape_cast %get3A_40 : vector<16xi32> to vector<16xi32>
    %add3A_42 = vector.broadcast %mul3A_4 : i32 to vector<16xi32>
    %add3A_43 = arith.addi %get3A_41, %add3A_42 : vector<16xi32>
    %swap3A_44 = arith.constant 64 : index
    %swap3A_45 = tpu.vector_load %arg5[%swap3A_44] {strides = array<i32>} : memref<1024xi32, #tpu.memory_space<vmem>>, vector<16xi32>,
    %swap3A_46 = vector.shape_cast %swap3A_45 : vector<16xi32> to vector<16xi32>
    %swap3A_47 = vector.shape_cast %add3A_43 : vector<16xi32> to vector<16xi32>
    tpu.vector_store %arg5[%swap3A_44], %swap3A_47 {strides = array<i32>} : memref<1024xi32, #tpu.memory_space<vmem>>, vector<16xi32>,
    %get3A_48 = arith.constant 80 : index
    %get3A_49 = tpu.vector_load %arg5[%get3A_48] {strides = array<i32>} : memref<1024xi32, #tpu.memory_space<vmem>>, vector<16xi32>,
    %get3A_50 = vector.shape_cast %get3A_49 : vector<16xi32> to vector<16xi32>
    %add3A_51 = vector.broadcast %mul3A_4 : i32 to vector<16xi32>
    %add3A_52 = arith.addi %get3A_50, %add3A_51 : vector<16xi32>
    %swap3A_53 = arith.constant 80 : index
    %swap3A_54 = tpu.vector_load %arg5[%swap3A_53] {strides = array<i32>} : memref<1024xi32, #tpu.memory_space<vmem>>, vector<16xi32>,
    %swap3A_55 = vector.shape_cast %swap3A_54 : vector<16xi32> to vector<16xi32>
    %swap3A_56 = vector.shape_cast %add3A_52 : vector<16xi32> to vector<16xi32>
    tpu.vector_store %arg5[%swap3A_53], %swap3A_56 {strides = array<i32>} : memref<1024xi32, #tpu.memory_space<vmem>>, vector<16xi32>,
    %get3A_57 = arith.constant 96 : index
    %get3A_58 = tpu.vector_load %arg5[%get3A_57] {strides = array<i32>} : memref<1024xi32, #tpu.memory_space<vmem>>, vector<16xi32>,
    %get3A_59 = vector.shape_cast %get3A_58 : vector<16xi32> to vector<16xi32>
    %add3A_60 = vector.broadcast %mul3A_4 : i32 to vector<16xi32>
    %add3A_61 = arith.addi %get3A_59, %add3A_60 : vector<16xi32>
    %swap3A_62 = arith.constant 96 : index
    %swap3A_63 = tpu.vector_load %arg5[%swap3A_62] {strides = array<i32>} : memref<1024xi32, #tpu.memory_space<vmem>>, vector<16xi32>,
    %swap3A_64 = vector.shape_cast %swap3A_63 : vector<16xi32> to vector<16xi32>
    %swap3A_65 = vector.shape_cast %add3A_61 : vector<16xi32> to vector<16xi32>
    tpu.vector_store %arg5[%swap3A_62], %swap3A_65 {strides = array<i32>} : memref<1024xi32, #tpu.memory_space<vmem>>, vector<16xi32>,
    %get3A_66 = arith.constant 112 : index
    %get3A_67 = tpu.vector_load %arg5[%get3A_66] {strides = array<i32>} : memref<1024xi32, #tpu.memory_space<vmem>>, vector<16xi32>,
    %get3A_68 = vector.shape_cast %get3A_67 : vector<16xi32> to vector<16xi32>
    %add3A_69 = vector.broadcast %mul3A_4 : i32 to vector<16xi32>
    %add3A_70 = arith.addi %get3A_68, %add3A_69 : vector<16xi32>
    %swap3A_71 = arith.constant 112 : index
    %swap3A_72 = tpu.vector_load %arg5[%swap3A_71] {strides = array<i32>} : memref<1024xi32, #tpu.memory_space<vmem>>, vector<16xi32>,
    %swap3A_73 = vector.shape_cast %swap3A_72 : vector<16xi32> to vector<16xi32>
    %swap3A_74 = vector.shape_cast %add3A_70 : vector<16xi32> to vector<16xi32>
    tpu.vector_store %arg5[%swap3A_71], %swap3A_74 {strides = array<i32>} : memref<1024xi32, #tpu.memory_space<vmem>>, vector<16xi32>,
    %get3A_75 = arith.constant 128 : index
    %get3A_76 = tpu.vector_load %arg5[%get3A_75] {strides = array<i32>} : memref<1024xi32, #tpu.memory_space<vmem>>, vector<16xi32>,
    %get3A_77 = vector.shape_cast %get3A_76 : vector<16xi32> to vector<16xi32>
    %add3A_78 = vector.broadcast %mul3A_4 : i32 to vector<16xi32>
    %add3A_79 = arith.addi %get3A_77, %add3A_78 : vector<16xi32>
    %swap3A_80 = arith.constant 128 : index
    %swap3A_81 = tpu.vector_load %arg5[%swap3A_80] {strides = array<i32>} : memref<1024xi32, #tpu.memory_space<vmem>>, vector<16xi32>,
    %swap3A_82 = vector.shape_cast %swap3A_81 : vector<16xi32> to vector<16xi32>
    %swap3A_83 = vector.shape_cast %add3A_79 : vector<16xi32> to vector<16xi32>
    tpu.vector_store %arg5[%swap3A_80], %swap3A_83 {strides = array<i32>} : memref<1024xi32, #tpu.memory_space<vmem>>, vector<16xi32>,
    %get3A_84 = arith.constant 144 : index
    %get3A_85 = tpu.vector_load %arg5[%get3A_84] {strides = array<i32>} : memref<1024xi32, #tpu.memory_space<vmem>>, vector<16xi32>,
    %get3A_86 = vector.shape_cast %get3A_85 : vector<16xi32> to vector<16xi32>
    %add3A_87 = vector.broadcast %mul3A_4 : i32 to vector<16xi32>
    %add3A_88 = arith.addi %get3A_86, %add3A_87 : vector<16xi32>
    %swap3A_89 = arith.constant 144 : index
    %swap3A_90 = tpu.vector_load %arg5[%swap3A_89] {strides = array<i32>} : memref<1024xi32, #tpu.memory_space<vmem>>, vector<16xi32>,
    %swap3A_91 = vector.shape_cast %swap3A_90 : vector<16xi32> to vector<16xi32>
    %swap3A_92 = vector.shape_cast %add3A_88 : vector<16xi32> to vector<16xi32>
    tpu.vector_store %arg5[%swap3A_89], %swap3A_92 {strides = array<i32>} : memref<1024xi32, #tpu.memory_space<vmem>>, vector<16xi32>,
    %get3A_93 = arith.constant 160 : index
    %get3A_94 = tpu.vector_load %arg5[%get3A_93] {strides = array<i32>} : memref<1024xi32, #tpu.memory_space<vmem>>, vector<16xi32>,
    %get3A_95 = vector.shape_cast %get3A_94 : vector<16xi32> to vector<16xi32>
    %add3A_96 = vector.broadcast %mul3A_4 : i32 to vector<16xi32>
    %add3A_97 = arith.addi %get3A_95, %add3A_96 : vector<16xi32>
    %swap3A_98 = arith.constant 160 : index
    %swap3A_99 = tpu.vector_load %arg5[%swap3A_98] {strides = array<i32>} : memref<1024xi32, #tpu.memory_space<vmem>>, vector<16xi32>,
    %swap3A_100 = vector.shape_cast %swap3A_99 : vector<16xi32> to vector<16xi32>
    %swap3A_101 = vector.shape_cast %add3A_97 : vector<16xi32> to vector<16xi32>
    tpu.vector_store %arg5[%swap3A_98], %swap3A_101 {strides = array<i32>} : memref<1024xi32, #tpu.memory_space<vmem>>, vector<16xi32>,
    %get3A_102 = arith.constant 176 : index
    %get3A_103 = tpu.vector_load %arg5[%get3A_102] {strides = array<i32>} : memref<1024xi32, #tpu.memory_space<vmem>>, vector<16xi32>,
    %get3A_104 = vector.shape_cast %get3A_103 : vector<16xi32> to vector<16xi32>
    %add3A_105 = vector.broadcast %mul3A_4 : i32 to vector<16xi32>
    %add3A_106 = arith.addi %get3A_104, %add3A_105 : vector<16xi32>
    %swap3A_107 = arith.constant 176 : index
    %swap3A_108 = tpu.vector_load %arg5[%swap3A_107] {strides = array<i32>} : memref<1024xi32, #tpu.memory_space<vmem>>, vector<16xi32>,
    %swap3A_109 = vector.shape_cast %swap3A_108 : vector<16xi32> to vector<16xi32>
    %swap3A_110 = vector.shape_cast %add3A_106 : vector<16xi32> to vector<16xi32>
    tpu.vector_store %arg5[%swap3A_107], %swap3A_110 {strides = array<i32>} : memref<1024xi32, #tpu.memory_space<vmem>>, vector<16xi32>,
    %get3A_111 = arith.constant 192 : index
    %get3A_112 = tpu.vector_load %arg5[%get3A_111] {strides = array<i32>} : memref<1024xi32, #tpu.memory_space<vmem>>, vector<16xi32>,
    %get3A_113 = vector.shape_cast %get3A_112 : vector<16xi32> to vector<16xi32>
    %add3A_114 = vector.broadcast %mul3A_4 : i32 to vector<16xi32>
    %add3A_115 = arith.addi %get3A_113, %add3A_114 : vector<16xi32>
    %swap3A_116 = arith.constant 192 : index
    %swap3A_117 = tpu.vector_load %arg5[%swap3A_116] {strides = array<i32>} : memref<1024xi32, #tpu.memory_space<vmem>>, vector<16xi32>,
    %swap3A_118 = vector.shape_cast %swap3A_117 : vector<16xi32> to vector<16xi32>
    %swap3A_119 = vector.shape_cast %add3A_115 : vector<16xi32> to vector<16xi32>
    tpu.vector_store %arg5[%swap3A_116], %swap3A_119 {strides = array<i32>} : memref<1024xi32, #tpu.memory_space<vmem>>, vector<16xi32>,
    %get3A_120 = arith.constant 208 : index
    %get3A_121 = tpu.vector_load %arg5[%get3A_120] {strides = array<i32>} : memref<1024xi32, #tpu.memory_space<vmem>>, vector<16xi32>,
    %get3A_122 = vector.shape_cast %get3A_121 : vector<16xi32> to vector<16xi32>
    %add3A_123 = vector.broadcast %mul3A_4 : i32 to vector<16xi32>
    %add3A_124 = arith.addi %get3A_122, %add3A_123 : vector<16xi32>
    %swap3A_125 = arith.constant 208 : index
    %swap3A_126 = tpu.vector_load %arg5[%swap3A_125] {strides = array<i32>} : memref<1024xi32, #tpu.memory_space<vmem>>, vector<16xi32>,
    %swap3A_127 = vector.shape_cast %swap3A_126 : vector<16xi32> to vector<16xi32>
    %swap3A_128 = vector.shape_cast %add3A_124 : vector<16xi32> to vector<16xi32>
    tpu.vector_store %arg5[%swap3A_125], %swap3A_128 {strides = array<i32>} : memref<1024xi32, #tpu.memory_space<vmem>>, vector<16xi32>,
    %get3A_129 = arith.constant 224 : index
    %get3A_130 = tpu.vector_load %arg5[%get3A_129] {strides = array<i32>} : memref<1024xi32, #tpu.memory_space<vmem>>, vector<16xi32>,
    %get3A_131 = vector.shape_cast %get3A_130 : vector<16xi32> to vector<16xi32>
    %add3A_132 = vector.broadcast %mul3A_4 : i32 to vector<16xi32>
    %add3A_133 = arith.addi %get3A_131, %add3A_132 : vector<16xi32>
    %swap3A_134 = arith.constant 224 : index
    %swap3A_135 = tpu.vector_load %arg5[%swap3A_134] {strides = array<i32>} : memref<1024xi32, #tpu.memory_space<vmem>>, vector<16xi32>,
    %swap3A_136 = vector.shape_cast %swap3A_135 : vector<16xi32> to vector<16xi32>
    %swap3A_137 = vector.shape_cast %add3A_133 : vector<16xi32> to vector<16xi32>
    tpu.vector_store %arg5[%swap3A_134], %swap3A_137 {strides = array<i32>} : memref<1024xi32, #tpu.memory_space<vmem>>, vector<16xi32>,
    %get3A_138 = arith.constant 240 : index
    %get3A_139 = tpu.vector_load %arg5[%get3A_138] {strides = array<i32>} : memref<1024xi32, #tpu.memory_space<vmem>>, vector<16xi32>,
    %get3A_140 = vector.shape_cast %get3A_139 : vector<16xi32> to vector<16xi32>
    %add3A_141 = vector.broadcast %mul3A_4 : i32 to vector<16xi32>
    %add3A_142 = arith.addi %get3A_140, %add3A_141 : vector<16xi32>
    %swap3A_143 = arith.constant 240 : index
    %swap3A_144 = tpu.vector_load %arg5[%swap3A_143] {strides = array<i32>} : memref<1024xi32, #tpu.memory_space<vmem>>, vector<16xi32>,
    %swap3A_145 = vector.shape_cast %swap3A_144 : vector<16xi32> to vector<16xi32>
    %swap3A_146 = vector.shape_cast %add3A_142 : vector<16xi32> to vector<16xi32>
    tpu.vector_store %arg5[%swap3A_143], %swap3A_146 {strides = array<i32>} : memref<1024xi32, #tpu.memory_space<vmem>>, vector<16xi32>,
    %get3A_147 = arith.constant 256 : index
    %get3A_148 = tpu.vector_load %arg5[%get3A_147] {strides = array<i32>} : memref<1024xi32, #tpu.memory_space<vmem>>, vector<16xi32>,
    %get3A_149 = vector.shape_cast %get3A_148 : vector<16xi32> to vector<16xi32>
    %add3A_150 = vector.broadcast %mul3A_4 : i32 to vector<16xi32>
    %add3A_151 = arith.addi %get3A_149, %add3A_150 : vector<16xi32>
    %swap3A_152 = arith.constant 256 : index
    %swap3A_153 = tpu.vector_load %arg5[%swap3A_152] {strides = array<i32>} : memref<1024xi32, #tpu.memory_space<vmem>>, vector<16xi32>,
    %swap3A_154 = vector.shape_cast %swap3A_153 : vector<16xi32> to vector<16xi32>
    %swap3A_155 = vector.shape_cast %add3A_151 : vector<16xi32> to vector<16xi32>
    tpu.vector_store %arg5[%swap3A_152], %swap3A_155 {strides = array<i32>} : memref<1024xi32, #tpu.memory_space<vmem>>, vector<16xi32>,
    %get3A_156 = arith.constant 272 : index
    %get3A_157 = tpu.vector_load %arg5[%get3A_156] {strides = array<i32>} : memref<1024xi32, #tpu.memory_space<vmem>>, vector<16xi32>,
    %get3A_158 = vector.shape_cast %get3A_157 : vector<16xi32> to vector<16xi32>
    %add3A_159 = vector.broadcast %mul3A_4 : i32 to vector<16xi32>
    %add3A_160 = arith.addi %get3A_158, %add3A_159 : vector<16xi32>
    %swap3A_161 = arith.constant 272 : index
    %swap3A_162 = tpu.vector_load %arg5[%swap3A_161] {strides = array<i32>} : memref<1024xi32, #tpu.memory_space<vmem>>, vector<16xi32>,
    %swap3A_163 = vector.shape_cast %swap3A_162 : vector<16xi32> to vector<16xi32>
    %swap3A_164 = vector.shape_cast %add3A_160 : vector<16xi32> to vector<16xi32>
    tpu.vector_store %arg5[%swap3A_161], %swap3A_164 {strides = array<i32>} : memref<1024xi32, #tpu.memory_space<vmem>>, vector<16xi32>,
    %get3A_165 = arith.constant 288 : index
    %get3A_166 = tpu.vector_load %arg5[%get3A_165] {strides = array<i32>} : memref<1024xi32, #tpu.memory_space<vmem>>, vector<16xi32>,
    %get3A_167 = vector.shape_cast %get3A_166 : vector<16xi32> to vector<16xi32>
    %add3A_168 = vector.broadcast %mul3A_4 : i32 to vector<16xi32>
    %add3A_169 = arith.addi %get3A_167, %add3A_168 : vector<16xi32>
    %swap3A_170 = arith.constant 288 : index
    %swap3A_171 = tpu.vector_load %arg5[%swap3A_170] {strides = array<i32>} : memref<1024xi32, #tpu.memory_space<vmem>>, vector<16xi32>,
    %swap3A_172 = vector.shape_cast %swap3A_171 : vector<16xi32> to vector<16xi32>
    %swap3A_173 = vector.shape_cast %add3A_169 : vector<16xi32> to vector<16xi32>
    tpu.vector_store %arg5[%swap3A_170], %swap3A_173 {strides = array<i32>} : memref<1024xi32, #tpu.memory_space<vmem>>, vector<16xi32>,
    %get3A_174 = arith.constant 304 : index
    %get3A_175 = tpu.vector_load %arg5[%get3A_174] {strides = array<i32>} : memref<1024xi32, #tpu.memory_space<vmem>>, vector<16xi32>,
    %get3A_176 = vector.shape_cast %get3A_175 : vector<16xi32> to vector<16xi32>
    %add3A_177 = vector.broadcast %mul3A_4 : i32 to vector<16xi32>
    %add3A_178 = arith.addi %get3A_176, %add3A_177 : vector<16xi32>
    %swap3A_179 = arith.constant 304 : index
    %swap3A_180 = tpu.vector_load %arg5[%swap3A_179] {strides = array<i32>} : memref<1024xi32, #tpu.memory_space<vmem>>, vector<16xi32>,
    %swap3A_181 = vector.shape_cast %swap3A_180 : vector<16xi32> to vector<16xi32>
    %swap3A_182 = vector.shape_cast %add3A_178 : vector<16xi32> to vector<16xi32>
    tpu.vector_store %arg5[%swap3A_179], %swap3A_182 {strides = array<i32>} : memref<1024xi32, #tpu.memory_space<vmem>>, vector<16xi32>,
    %get3A_183 = arith.constant 320 : index
    %get3A_184 = tpu.vector_load %arg5[%get3A_183] {strides = array<i32>} : memref<1024xi32, #tpu.memory_space<vmem>>, vector<16xi32>,
    %get3A_185 = vector.shape_cast %get3A_184 : vector<16xi32> to vector<16xi32>
    %add3A_186 = vector.broadcast %mul3A_4 : i32 to vector<16xi32>
    %add3A_187 = arith.addi %get3A_185, %add3A_186 : vector<16xi32>
    %swap3A_188 = arith.constant 320 : index
    %swap3A_189 = tpu.vector_load %arg5[%swap3A_188] {strides = array<i32>} : memref<1024xi32, #tpu.memory_space<vmem>>, vector<16xi32>,
    %swap3A_190 = vector.shape_cast %swap3A_189 : vector<16xi32> to vector<16xi32>
    %swap3A_191 = vector.shape_cast %add3A_187 : vector<16xi32> to vector<16xi32>
    tpu.vector_store %arg5[%swap3A_188], %swap3A_191 {strides = array<i32>} : memref<1024xi32, #tpu.memory_space<vmem>>, vector<16xi32>,
    %get3A_192 = arith.constant 336 : index
    %get3A_193 = tpu.vector_load %arg5[%get3A_192] {strides = array<i32>} : memref<1024xi32, #tpu.memory_space<vmem>>, vector<16xi32>,
    %get3A_194 = vector.shape_cast %get3A_193 : vector<16xi32> to vector<16xi32>
    %add3A_195 = vector.broadcast %mul3A_4 : i32 to vector<16xi32>
    %add3A_196 = arith.addi %get3A_194, %add3A_195 : vector<16xi32>
    %swap3A_197 = arith.constant 336 : index
    %swap3A_198 = tpu.vector_load %arg5[%swap3A_197] {strides = array<i32>} : memref<1024xi32, #tpu.memory_space<vmem>>, vector<16xi32>,
    %swap3A_199 = vector.shape_cast %swap3A_198 : vector<16xi32> to vector<16xi32>
    %swap3A_200 = vector.shape_cast %add3A_196 : vector<16xi32> to vector<16xi32>
    tpu.vector_store %arg5[%swap3A_197], %swap3A_200 {strides = array<i32>} : memref<1024xi32, #tpu.memory_space<vmem>>, vector<16xi32>,
    %get3A_201 = arith.constant 352 : index
    %get3A_202 = tpu.vector_load %arg5[%get3A_201] {strides = array<i32>} : memref<1024xi32, #tpu.memory_space<vmem>>, vector<16xi32>,
    %get3A_203 = vector.shape_cast %get3A_202 : vector<16xi32> to vector<16xi32>
    %add3A_204 = vector.broadcast %mul3A_4 : i32 to vector<16xi32>
    %add3A_205 = arith.addi %get3A_203, %add3A_204 : vector<16xi32>
    %swap3A_206 = arith.constant 352 : index
    %swap3A_207 = tpu.vector_load %arg5[%swap3A_206] {strides = array<i32>} : memref<1024xi32, #tpu.memory_space<vmem>>, vector<16xi32>,
    %swap3A_208 = vector.shape_cast %swap3A_207 : vector<16xi32> to vector<16xi32>
    %swap3A_209 = vector.shape_cast %add3A_205 : vector<16xi32> to vector<16xi32>
    tpu.vector_store %arg5[%swap3A_206], %swap3A_209 {strides = array<i32>} : memref<1024xi32, #tpu.memory_space<vmem>>, vector<16xi32>,
    %get3A_210 = arith.constant 368 : index
    %get3A_211 = tpu.vector_load %arg5[%get3A_210] {strides = array<i32>} : memref<1024xi32, #tpu.memory_space<vmem>>, vector<16xi32>,
    %get3A_212 = vector.shape_cast %get3A_211 : vector<16xi32> to vector<16xi32>
    %add3A_213 = vector.broadcast %mul3A_4 : i32 to vector<16xi32>
    %add3A_214 = arith.addi %get3A_212, %add3A_213 : vector<16xi32>
    %swap3A_215 = arith.constant 368 : index
    %swap3A_216 = tpu.vector_load %arg5[%swap3A_215] {strides = array<i32>} : memref<1024xi32, #tpu.memory_space<vmem>>, vector<16xi32>,
    %swap3A_217 = vector.shape_cast %swap3A_216 : vector<16xi32> to vector<16xi32>
    %swap3A_218 = vector.shape_cast %add3A_214 : vector<16xi32> to vector<16xi32>
    tpu.vector_store %arg5[%swap3A_215], %swap3A_218 {strides = array<i32>} : memref<1024xi32, #tpu.memory_space<vmem>>, vector<16xi32>,
    %get3A_219 = arith.constant 384 : index
    %get3A_220 = tpu.vector_load %arg5[%get3A_219] {strides = array<i32>} : memref<1024xi32, #tpu.memory_space<vmem>>, vector<16xi32>,
    %get3A_221 = vector.shape_cast %get3A_220 : vector<16xi32> to vector<16xi32>
    %add3A_222 = vector.broadcast %mul3A_4 : i32 to vector<16xi32>
    %add3A_223 = arith.addi %get3A_221, %add3A_222 : vector<16xi32>
    %swap3A_224 = arith.constant 384 : index
    %swap3A_225 = tpu.vector_load %arg5[%swap3A_224] {strides = array<i32>} : memref<1024xi32, #tpu.memory_space<vmem>>, vector<16xi32>,
    %swap3A_226 = vector.shape_cast %swap3A_225 : vector<16xi32> to vector<16xi32>
    %swap3A_227 = vector.shape_cast %add3A_223 : vector<16xi32> to vector<16xi32>
    tpu.vector_store %arg5[%swap3A_224], %swap3A_227 {strides = array<i32>} : memref<1024xi32, #tpu.memory_space<vmem>>, vector<16xi32>,
    %get3A_228 = arith.constant 400 : index
    %get3A_229 = tpu.vector_load %arg5[%get3A_228] {strides = array<i32>} : memref<1024xi32, #tpu.memory_space<vmem>>, vector<16xi32>,
    %get3A_230 = vector.shape_cast %get3A_229 : vector<16xi32> to vector<16xi32>
    %add3A_231 = vector.broadcast %mul3A_4 : i32 to vector<16xi32>
    %add3A_232 = arith.addi %get3A_230, %add3A_231 : vector<16xi32>
    %swap3A_233 = arith.constant 400 : index
    %swap3A_234 = tpu.vector_load %arg5[%swap3A_233] {strides = array<i32>} : memref<1024xi32, #tpu.memory_space<vmem>>, vector<16xi32>,
    %swap3A_235 = vector.shape_cast %swap3A_234 : vector<16xi32> to vector<16xi32>
    %swap3A_236 = vector.shape_cast %add3A_232 : vector<16xi32> to vector<16xi32>
    tpu.vector_store %arg5[%swap3A_233], %swap3A_236 {strides = array<i32>} : memref<1024xi32, #tpu.memory_space<vmem>>, vector<16xi32>,
    %get3A_237 = arith.constant 416 : index
    %get3A_238 = tpu.vector_load %arg5[%get3A_237] {strides = array<i32>} : memref<1024xi32, #tpu.memory_space<vmem>>, vector<16xi32>,
    %get3A_239 = vector.shape_cast %get3A_238 : vector<16xi32> to vector<16xi32>
    %add3A_240 = vector.broadcast %mul3A_4 : i32 to vector<16xi32>
    %add3A_241 = arith.addi %get3A_239, %add3A_240 : vector<16xi32>
    %swap3A_242 = arith.constant 416 : index
    %swap3A_243 = tpu.vector_load %arg5[%swap3A_242] {strides = array<i32>} : memref<1024xi32, #tpu.memory_space<vmem>>, vector<16xi32>,
    %swap3A_244 = vector.shape_cast %swap3A_243 : vector<16xi32> to vector<16xi32>
    %swap3A_245 = vector.shape_cast %add3A_241 : vector<16xi32> to vector<16xi32>
    tpu.vector_store %arg5[%swap3A_242], %swap3A_245 {strides = array<i32>} : memref<1024xi32, #tpu.memory_space<vmem>>, vector<16xi32>,
    %get3A_246 = arith.constant 432 : index
    %get3A_247 = tpu.vector_load %arg5[%get3A_246] {strides = array<i32>} : memref<1024xi32, #tpu.memory_space<vmem>>, vector<16xi32>,
    %get3A_248 = vector.shape_cast %get3A_247 : vector<16xi32> to vector<16xi32>
    %add3A_249 = vector.broadcast %mul3A_4 : i32 to vector<16xi32>
    %add3A_250 = arith.addi %get3A_248, %add3A_249 : vector<16xi32>
    %swap3A_251 = arith.constant 432 : index
    %swap3A_252 = tpu.vector_load %arg5[%swap3A_251] {strides = array<i32>} : memref<1024xi32, #tpu.memory_space<vmem>>, vector<16xi32>,
    %swap3A_253 = vector.shape_cast %swap3A_252 : vector<16xi32> to vector<16xi32>
    %swap3A_254 = vector.shape_cast %add3A_250 : vector<16xi32> to vector<16xi32>
    tpu.vector_store %arg5[%swap3A_251], %swap3A_254 {strides = array<i32>} : memref<1024xi32, #tpu.memory_space<vmem>>, vector<16xi32>,
    %get3A_255 = arith.constant 448 : index
    %get3A_256 = tpu.vector_load %arg5[%get3A_255] {strides = array<i32>} : memref<1024xi32, #tpu.memory_space<vmem>>, vector<16xi32>,
    %get3A_257 = vector.shape_cast %get3A_256 : vector<16xi32> to vector<16xi32>
    %add3A_258 = vector.broadcast %mul3A_4 : i32 to vector<16xi32>
    %add3A_259 = arith.addi %get3A_257, %add3A_258 : vector<16xi32>
    %swap3A_260 = arith.constant 448 : index
    %swap3A_261 = tpu.vector_load %arg5[%swap3A_260] {strides = array<i32>} : memref<1024xi32, #tpu.memory_space<vmem>>, vector<16xi32>,
    %swap3A_262 = vector.shape_cast %swap3A_261 : vector<16xi32> to vector<16xi32>
    %swap3A_263 = vector.shape_cast %add3A_259 : vector<16xi32> to vector<16xi32>
    tpu.vector_store %arg5[%swap3A_260], %swap3A_263 {strides = array<i32>} : memref<1024xi32, #tpu.memory_space<vmem>>, vector<16xi32>,
    %get3A_264 = arith.constant 464 : index
    %get3A_265 = tpu.vector_load %arg5[%get3A_264] {strides = array<i32>} : memref<1024xi32, #tpu.memory_space<vmem>>, vector<16xi32>,
    %get3A_266 = vector.shape_cast %get3A_265 : vector<16xi32> to vector<16xi32>
    %add3A_267 = vector.broadcast %mul3A_4 : i32 to vector<16xi32>
    %add3A_268 = arith.addi %get3A_266, %add3A_267 : vector<16xi32>
    %swap3A_269 = arith.constant 464 : index
    %swap3A_270 = tpu.vector_load %arg5[%swap3A_269] {strides = array<i32>} : memref<1024xi32, #tpu.memory_space<vmem>>, vector<16xi32>,
    %swap3A_271 = vector.shape_cast %swap3A_270 : vector<16xi32> to vector<16xi32>
    %swap3A_272 = vector.shape_cast %add3A_268 : vector<16xi32> to vector<16xi32>
    tpu.vector_store %arg5[%swap3A_269], %swap3A_272 {strides = array<i32>} : memref<1024xi32, #tpu.memory_space<vmem>>, vector<16xi32>,
    %get3A_273 = arith.constant 480 : index
    %get3A_274 = tpu.vector_load %arg5[%get3A_273] {strides = array<i32>} : memref<1024xi32, #tpu.memory_space<vmem>>, vector<16xi32>,
    %get3A_275 = vector.shape_cast %get3A_274 : vector<16xi32> to vector<16xi32>
    %add3A_276 = vector.broadcast %mul3A_4 : i32 to vector<16xi32>
    %add3A_277 = arith.addi %get3A_275, %add3A_276 : vector<16xi32>
    %swap3A_278 = arith.constant 480 : index
    %swap3A_279 = tpu.vector_load %arg5[%swap3A_278] {strides = array<i32>} : memref<1024xi32, #tpu.memory_space<vmem>>, vector<16xi32>,
    %swap3A_280 = vector.shape_cast %swap3A_279 : vector<16xi32> to vector<16xi32>
    %swap3A_281 = vector.shape_cast %add3A_277 : vector<16xi32> to vector<16xi32>
    tpu.vector_store %arg5[%swap3A_278], %swap3A_281 {strides = array<i32>} : memref<1024xi32, #tpu.memory_space<vmem>>, vector<16xi32>,
    %get3A_282 = arith.constant 496 : index
    %get3A_283 = tpu.vector_load %arg5[%get3A_282] {strides = array<i32>} : memref<1024xi32, #tpu.memory_space<vmem>>, vector<16xi32>,
    %get3A_284 = vector.shape_cast %get3A_283 : vector<16xi32> to vector<16xi32>
    %add3A_285 = vector.broadcast %mul3A_4 : i32 to vector<16xi32>
    %add3A_286 = arith.addi %get3A_284, %add3A_285 : vector<16xi32>
    %swap3A_287 = arith.constant 496 : index
    %swap3A_288 = tpu.vector_load %arg5[%swap3A_287] {strides = array<i32>} : memref<1024xi32, #tpu.memory_space<vmem>>, vector<16xi32>,
    %swap3A_289 = vector.shape_cast %swap3A_288 : vector<16xi32> to vector<16xi32>
    %swap3A_290 = vector.shape_cast %add3A_286 : vector<16xi32> to vector<16xi32>
    tpu.vector_store %arg5[%swap3A_287], %swap3A_290 {strides = array<i32>} : memref<1024xi32, #tpu.memory_space<vmem>>, vector<16xi32>,
    %get3A_291 = arith.constant 512 : index
    %get3A_292 = tpu.vector_load %arg5[%get3A_291] {strides = array<i32>} : memref<1024xi32, #tpu.memory_space<vmem>>, vector<16xi32>,
    %get3A_293 = vector.shape_cast %get3A_292 : vector<16xi32> to vector<16xi32>
    %add3A_294 = vector.broadcast %mul3A_4 : i32 to vector<16xi32>
    %add3A_295 = arith.addi %get3A_293, %add3A_294 : vector<16xi32>
    %swap3A_296 = arith.constant 512 : index
    %swap3A_297 = tpu.vector_load %arg5[%swap3A_296] {strides = array<i32>} : memref<1024xi32, #tpu.memory_space<vmem>>, vector<16xi32>,
    %swap3A_298 = vector.shape_cast %swap3A_297 : vector<16xi32> to vector<16xi32>
    %swap3A_299 = vector.shape_cast %add3A_295 : vector<16xi32> to vector<16xi32>
    tpu.vector_store %arg5[%swap3A_296], %swap3A_299 {strides = array<i32>} : memref<1024xi32, #tpu.memory_space<vmem>>, vector<16xi32>,
    %get3A_300 = arith.constant 528 : index
    %get3A_301 = tpu.vector_load %arg5[%get3A_300] {strides = array<i32>} : memref<1024xi32, #tpu.memory_space<vmem>>, vector<16xi32>,
    %get3A_302 = vector.shape_cast %get3A_301 : vector<16xi32> to vector<16xi32>
    %add3A_303 = vector.broadcast %mul3A_4 : i32 to vector<16xi32>
    %add3A_304 = arith.addi %get3A_302, %add3A_303 : vector<16xi32>
    %swap3A_305 = arith.constant 528 : index
    %swap3A_306 = tpu.vector_load %arg5[%swap3A_305] {strides = array<i32>} : memref<1024xi32, #tpu.memory_space<vmem>>, vector<16xi32>,
    %swap3A_307 = vector.shape_cast %swap3A_306 : vector<16xi32> to vector<16xi32>
    %swap3A_308 = vector.shape_cast %add3A_304 : vector<16xi32> to vector<16xi32>
    tpu.vector_store %arg5[%swap3A_305], %swap3A_308 {strides = array<i32>} : memref<1024xi32, #tpu.memory_space<vmem>>, vector<16xi32>,
    %get3A_309 = arith.constant 544 : index
    %get3A_310 = tpu.vector_load %arg5[%get3A_309] {strides = array<i32>} : memref<1024xi32, #tpu.memory_space<vmem>>, vector<16xi32>,
    %get3A_311 = vector.shape_cast %get3A_310 : vector<16xi32> to vector<16xi32>
    %add3A_312 = vector.broadcast %mul3A_4 : i32 to vector<16xi32>
    %add3A_313 = arith.addi %get3A_311, %add3A_312 : vector<16xi32>
    %swap3A_314 = arith.constant 544 : index
    %swap3A_315 = tpu.vector_load %arg5[%swap3A_314] {strides = array<i32>} : memref<1024xi32, #tpu.memory_space<vmem>>, vector<16xi32>,
    %swap3A_316 = vector.shape_cast %swap3A_315 : vector<16xi32> to vector<16xi32>
    %swap3A_317 = vector.shape_cast %add3A_313 : vector<16xi32> to vector<16xi32>
    tpu.vector_store %arg5[%swap3A_314], %swap3A_317 {strides = array<i32>} : memref<1024xi32, #tpu.memory_space<vmem>>, vector<16xi32>,
    %get3A_318 = arith.constant 560 : index
    %get3A_319 = tpu.vector_load %arg5[%get3A_318] {strides = array<i32>} : memref<1024xi32, #tpu.memory_space<vmem>>, vector<16xi32>,
    %get3A_320 = vector.shape_cast %get3A_319 : vector<16xi32> to vector<16xi32>
    %add3A_321 = vector.broadcast %mul3A_4 : i32 to vector<16xi32>
    %add3A_322 = arith.addi %get3A_320, %add3A_321 : vector<16xi32>
    %swap3A_323 = arith.constant 560 : index
    %swap3A_324 = tpu.vector_load %arg5[%swap3A_323] {strides = array<i32>} : memref<1024xi32, #tpu.memory_space<vmem>>, vector<16xi32>,
    %swap3A_325 = vector.shape_cast %swap3A_324 : vector<16xi32> to vector<16xi32>
    %swap3A_326 = vector.shape_cast %add3A_322 : vector<16xi32> to vector<16xi32>
    tpu.vector_store %arg5[%swap3A_323], %swap3A_326 {strides = array<i32>} : memref<1024xi32, #tpu.memory_space<vmem>>, vector<16xi32>,
    %get3A_327 = arith.constant 576 : index
    %get3A_328 = tpu.vector_load %arg5[%get3A_327] {strides = array<i32>} : memref<1024xi32, #tpu.memory_space<vmem>>, vector<16xi32>,
    %get3A_329 = vector.shape_cast %get3A_328 : vector<16xi32> to vector<16xi32>
    %add3A_330 = vector.broadcast %mul3A_4 : i32 to vector<16xi32>
    %add3A_331 = arith.addi %get3A_329, %add3A_330 : vector<16xi32>
    %swap3A_332 = arith.constant 576 : index
    %swap3A_333 = tpu.vector_load %arg5[%swap3A_332] {strides = array<i32>} : memref<1024xi32, #tpu.memory_space<vmem>>, vector<16xi32>,
    %swap3A_334 = vector.shape_cast %swap3A_333 : vector<16xi32> to vector<16xi32>
    %swap3A_335 = vector.shape_cast %add3A_331 : vector<16xi32> to vector<16xi32>
    tpu.vector_store %arg5[%swap3A_332], %swap3A_335 {strides = array<i32>} : memref<1024xi32, #tpu.memory_space<vmem>>, vector<16xi32>,
    %get3A_336 = arith.constant 592 : index
    %get3A_337 = tpu.vector_load %arg5[%get3A_336] {strides = array<i32>} : memref<1024xi32, #tpu.memory_space<vmem>>, vector<16xi32>,
    %get3A_338 = vector.shape_cast %get3A_337 : vector<16xi32> to vector<16xi32>
    %add3A_339 = vector.broadcast %mul3A_4 : i32 to vector<16xi32>
    %add3A_340 = arith.addi %get3A_338, %add3A_339 : vector<16xi32>
    %swap3A_341 = arith.constant 592 : index
    %swap3A_342 = tpu.vector_load %arg5[%swap3A_341] {strides = array<i32>} : memref<1024xi32, #tpu.memory_space<vmem>>, vector<16xi32>,
    %swap3A_343 = vector.shape_cast %swap3A_342 : vector<16xi32> to vector<16xi32>
    %swap3A_344 = vector.shape_cast %add3A_340 : vector<16xi32> to vector<16xi32>
    tpu.vector_store %arg5[%swap3A_341], %swap3A_344 {strides = array<i32>} : memref<1024xi32, #tpu.memory_space<vmem>>, vector<16xi32>,
    %get3A_345 = arith.constant 608 : index
    %get3A_346 = tpu.vector_load %arg5[%get3A_345] {strides = array<i32>} : memref<1024xi32, #tpu.memory_space<vmem>>, vector<16xi32>,
    %get3A_347 = vector.shape_cast %get3A_346 : vector<16xi32> to vector<16xi32>
    %add3A_348 = vector.broadcast %mul3A_4 : i32 to vector<16xi32>
    %add3A_349 = arith.addi %get3A_347, %add3A_348 : vector<16xi32>
    %swap3A_350 = arith.constant 608 : index
    %swap3A_351 = tpu.vector_load %arg5[%swap3A_350] {strides = array<i32>} : memref<1024xi32, #tpu.memory_space<vmem>>, vector<16xi32>,
    %swap3A_352 = vector.shape_cast %swap3A_351 : vector<16xi32> to vector<16xi32>
    %swap3A_353 = vector.shape_cast %add3A_349 : vector<16xi32> to vector<16xi32>
    tpu.vector_store %arg5[%swap3A_350], %swap3A_353 {strides = array<i32>} : memref<1024xi32, #tpu.memory_space<vmem>>, vector<16xi32>,
    %get3A_354 = arith.constant 624 : index
    %get3A_355 = tpu.vector_load %arg5[%get3A_354] {strides = array<i32>} : memref<1024xi32, #tpu.memory_space<vmem>>, vector<16xi32>,
    %get3A_356 = vector.shape_cast %get3A_355 : vector<16xi32> to vector<16xi32>
    %add3A_357 = vector.broadcast %mul3A_4 : i32 to vector<16xi32>
    %add3A_358 = arith.addi %get3A_356, %add3A_357 : vector<16xi32>
    %swap3A_359 = arith.constant 624 : index
    %swap3A_360 = tpu.vector_load %arg5[%swap3A_359] {strides = array<i32>} : memref<1024xi32, #tpu.memory_space<vmem>>, vector<16xi32>,
    %swap3A_361 = vector.shape_cast %swap3A_360 : vector<16xi32> to vector<16xi32>
    %swap3A_362 = vector.shape_cast %add3A_358 : vector<16xi32> to vector<16xi32>
    tpu.vector_store %arg5[%swap3A_359], %swap3A_362 {strides = array<i32>} : memref<1024xi32, #tpu.memory_space<vmem>>, vector<16xi32>,
    %get3A_363 = arith.constant 640 : index
    %get3A_364 = tpu.vector_load %arg5[%get3A_363] {strides = array<i32>} : memref<1024xi32, #tpu.memory_space<vmem>>, vector<16xi32>,
    %get3A_365 = vector.shape_cast %get3A_364 : vector<16xi32> to vector<16xi32>
    %add3A_366 = vector.broadcast %mul3A_4 : i32 to vector<16xi32>
    %add3A_367 = arith.addi %get3A_365, %add3A_366 : vector<16xi32>
    %swap3A_368 = arith.constant 640 : index
    %swap3A_369 = tpu.vector_load %arg5[%swap3A_368] {strides = array<i32>} : memref<1024xi32, #tpu.memory_space<vmem>>, vector<16xi32>,
    %swap3A_370 = vector.shape_cast %swap3A_369 : vector<16xi32> to vector<16xi32>
    %swap3A_371 = vector.shape_cast %add3A_367 : vector<16xi32> to vector<16xi32>
    tpu.vector_store %arg5[%swap3A_368], %swap3A_371 {strides = array<i32>} : memref<1024xi32, #tpu.memory_space<vmem>>, vector<16xi32>,
    %get3A_372 = arith.constant 656 : index
    %get3A_373 = tpu.vector_load %arg5[%get3A_372] {strides = array<i32>} : memref<1024xi32, #tpu.memory_space<vmem>>, vector<16xi32>,
    %get3A_374 = vector.shape_cast %get3A_373 : vector<16xi32> to vector<16xi32>
    %add3A_375 = vector.broadcast %mul3A_4 : i32 to vector<16xi32>
    %add3A_376 = arith.addi %get3A_374, %add3A_375 : vector<16xi32>
    %swap3A_377 = arith.constant 656 : index
    %swap3A_378 = tpu.vector_load %arg5[%swap3A_377] {strides = array<i32>} : memref<1024xi32, #tpu.memory_space<vmem>>, vector<16xi32>,
    %swap3A_379 = vector.shape_cast %swap3A_378 : vector<16xi32> to vector<16xi32>
    %swap3A_380 = vector.shape_cast %add3A_376 : vector<16xi32> to vector<16xi32>
    tpu.vector_store %arg5[%swap3A_377], %swap3A_380 {strides = array<i32>} : memref<1024xi32, #tpu.memory_space<vmem>>, vector<16xi32>,
    %get3A_381 = arith.constant 672 : index
    %get3A_382 = tpu.vector_load %arg5[%get3A_381] {strides = array<i32>} : memref<1024xi32, #tpu.memory_space<vmem>>, vector<16xi32>,
    %get3A_383 = vector.shape_cast %get3A_382 : vector<16xi32> to vector<16xi32>
    %add3A_384 = vector.broadcast %mul3A_4 : i32 to vector<16xi32>
    %add3A_385 = arith.addi %get3A_383, %add3A_384 : vector<16xi32>
    %swap3A_386 = arith.constant 672 : index
    %swap3A_387 = tpu.vector_load %arg5[%swap3A_386] {strides = array<i32>} : memref<1024xi32, #tpu.memory_space<vmem>>, vector<16xi32>,
    %swap3A_388 = vector.shape_cast %swap3A_387 : vector<16xi32> to vector<16xi32>
    %swap3A_389 = vector.shape_cast %add3A_385 : vector<16xi32> to vector<16xi32>
    tpu.vector_store %arg5[%swap3A_386], %swap3A_389 {strides = array<i32>} : memref<1024xi32, #tpu.memory_space<vmem>>, vector<16xi32>,
    %get3A_390 = arith.constant 688 : index
    %get3A_391 = tpu.vector_load %arg5[%get3A_390] {strides = array<i32>} : memref<1024xi32, #tpu.memory_space<vmem>>, vector<16xi32>,
    %get3A_392 = vector.shape_cast %get3A_391 : vector<16xi32> to vector<16xi32>
    %add3A_393 = vector.broadcast %mul3A_4 : i32 to vector<16xi32>
    %add3A_394 = arith.addi %get3A_392, %add3A_393 : vector<16xi32>
    %swap3A_395 = arith.constant 688 : index
    %swap3A_396 = tpu.vector_load %arg5[%swap3A_395] {strides = array<i32>} : memref<1024xi32, #tpu.memory_space<vmem>>, vector<16xi32>,
    %swap3A_397 = vector.shape_cast %swap3A_396 : vector<16xi32> to vector<16xi32>
    %swap3A_398 = vector.shape_cast %add3A_394 : vector<16xi32> to vector<16xi32>
    tpu.vector_store %arg5[%swap3A_395], %swap3A_398 {strides = array<i32>} : memref<1024xi32, #tpu.memory_space<vmem>>, vector<16xi32>,
    %get3A_399 = arith.constant 704 : index
    %get3A_400 = tpu.vector_load %arg5[%get3A_399] {strides = array<i32>} : memref<1024xi32, #tpu.memory_space<vmem>>, vector<16xi32>,
    %get3A_401 = vector.shape_cast %get3A_400 : vector<16xi32> to vector<16xi32>
    %add3A_402 = vector.broadcast %mul3A_4 : i32 to vector<16xi32>
    %add3A_403 = arith.addi %get3A_401, %add3A_402 : vector<16xi32>
    %swap3A_404 = arith.constant 704 : index
    %swap3A_405 = tpu.vector_load %arg5[%swap3A_404] {strides = array<i32>} : memref<1024xi32, #tpu.memory_space<vmem>>, vector<16xi32>,
    %swap3A_406 = vector.shape_cast %swap3A_405 : vector<16xi32> to vector<16xi32>
    %swap3A_407 = vector.shape_cast %add3A_403 : vector<16xi32> to vector<16xi32>
    tpu.vector_store %arg5[%swap3A_404], %swap3A_407 {strides = array<i32>} : memref<1024xi32, #tpu.memory_space<vmem>>, vector<16xi32>,
    %get3A_408 = arith.constant 720 : index
    %get3A_409 = tpu.vector_load %arg5[%get3A_408] {strides = array<i32>} : memref<1024xi32, #tpu.memory_space<vmem>>, vector<16xi32>,
    %get3A_410 = vector.shape_cast %get3A_409 : vector<16xi32> to vector<16xi32>
    %add3A_411 = vector.broadcast %mul3A_4 : i32 to vector<16xi32>
    %add3A_412 = arith.addi %get3A_410, %add3A_411 : vector<16xi32>
    %swap3A_413 = arith.constant 720 : index
    %swap3A_414 = tpu.vector_load %arg5[%swap3A_413] {strides = array<i32>} : memref<1024xi32, #tpu.memory_space<vmem>>, vector<16xi32>,
    %swap3A_415 = vector.shape_cast %swap3A_414 : vector<16xi32> to vector<16xi32>
    %swap3A_416 = vector.shape_cast %add3A_412 : vector<16xi32> to vector<16xi32>
    tpu.vector_store %arg5[%swap3A_413], %swap3A_416 {strides = array<i32>} : memref<1024xi32, #tpu.memory_space<vmem>>, vector<16xi32>,
    %get3A_417 = arith.constant 736 : index
    %get3A_418 = tpu.vector_load %arg5[%get3A_417] {strides = array<i32>} : memref<1024xi32, #tpu.memory_space<vmem>>, vector<16xi32>,
    %get3A_419 = vector.shape_cast %get3A_418 : vector<16xi32> to vector<16xi32>
    %add3A_420 = vector.broadcast %mul3A_4 : i32 to vector<16xi32>
    %add3A_421 = arith.addi %get3A_419, %add3A_420 : vector<16xi32>
    %swap3A_422 = arith.constant 736 : index
    %swap3A_423 = tpu.vector_load %arg5[%swap3A_422] {strides = array<i32>} : memref<1024xi32, #tpu.memory_space<vmem>>, vector<16xi32>,
    %swap3A_424 = vector.shape_cast %swap3A_423 : vector<16xi32> to vector<16xi32>
    %swap3A_425 = vector.shape_cast %add3A_421 : vector<16xi32> to vector<16xi32>
    tpu.vector_store %arg5[%swap3A_422], %swap3A_425 {strides = array<i32>} : memref<1024xi32, #tpu.memory_space<vmem>>, vector<16xi32>,
    %get3A_426 = arith.constant 752 : index
    %get3A_427 = tpu.vector_load %arg5[%get3A_426] {strides = array<i32>} : memref<1024xi32, #tpu.memory_space<vmem>>, vector<16xi32>,
    %get3A_428 = vector.shape_cast %get3A_427 : vector<16xi32> to vector<16xi32>
    %add3A_429 = vector.broadcast %mul3A_4 : i32 to vector<16xi32>
    %add3A_430 = arith.addi %get3A_428, %add3A_429 : vector<16xi32>
    %swap3A_431 = arith.constant 752 : index
    %swap3A_432 = tpu.vector_load %arg5[%swap3A_431] {strides = array<i32>} : memref<1024xi32, #tpu.memory_space<vmem>>, vector<16xi32>,
    %swap3A_433 = vector.shape_cast %swap3A_432 : vector<16xi32> to vector<16xi32>
    %swap3A_434 = vector.shape_cast %add3A_430 : vector<16xi32> to vector<16xi32>
    tpu.vector_store %arg5[%swap3A_431], %swap3A_434 {strides = array<i32>} : memref<1024xi32, #tpu.memory_space<vmem>>, vector<16xi32>,
    %get3A_435 = arith.constant 768 : index
    %get3A_436 = tpu.vector_load %arg5[%get3A_435] {strides = array<i32>} : memref<1024xi32, #tpu.memory_space<vmem>>, vector<16xi32>,
    %get3A_437 = vector.shape_cast %get3A_436 : vector<16xi32> to vector<16xi32>
    %add3A_438 = vector.broadcast %mul3A_4 : i32 to vector<16xi32>
    %add3A_439 = arith.addi %get3A_437, %add3A_438 : vector<16xi32>
    %swap3A_440 = arith.constant 768 : index
    %swap3A_441 = tpu.vector_load %arg5[%swap3A_440] {strides = array<i32>} : memref<1024xi32, #tpu.memory_space<vmem>>, vector<16xi32>,
    %swap3A_442 = vector.shape_cast %swap3A_441 : vector<16xi32> to vector<16xi32>
    %swap3A_443 = vector.shape_cast %add3A_439 : vector<16xi32> to vector<16xi32>
    tpu.vector_store %arg5[%swap3A_440], %swap3A_443 {strides = array<i32>} : memref<1024xi32, #tpu.memory_space<vmem>>, vector<16xi32>,
    %get3A_444 = arith.constant 784 : index
    %get3A_445 = tpu.vector_load %arg5[%get3A_444] {strides = array<i32>} : memref<1024xi32, #tpu.memory_space<vmem>>, vector<16xi32>,
    %get3A_446 = vector.shape_cast %get3A_445 : vector<16xi32> to vector<16xi32>
    %add3A_447 = vector.broadcast %mul3A_4 : i32 to vector<16xi32>
    %add3A_448 = arith.addi %get3A_446, %add3A_447 : vector<16xi32>
    %swap3A_449 = arith.constant 784 : index
    %swap3A_450 = tpu.vector_load %arg5[%swap3A_449] {strides = array<i32>} : memref<1024xi32, #tpu.memory_space<vmem>>, vector<16xi32>,
    %swap3A_451 = vector.shape_cast %swap3A_450 : vector<16xi32> to vector<16xi32>
    %swap3A_452 = vector.shape_cast %add3A_448 : vector<16xi32> to vector<16xi32>
    tpu.vector_store %arg5[%swap3A_449], %swap3A_452 {strides = array<i32>} : memref<1024xi32, #tpu.memory_space<vmem>>, vector<16xi32>,
    %get3A_453 = arith.constant 800 : index
    %get3A_454 = tpu.vector_load %arg5[%get3A_453] {strides = array<i32>} : memref<1024xi32, #tpu.memory_space<vmem>>, vector<16xi32>,
    %get3A_455 = vector.shape_cast %get3A_454 : vector<16xi32> to vector<16xi32>
    %add3A_456 = vector.broadcast %mul3A_4 : i32 to vector<16xi32>
    %add3A_457 = arith.addi %get3A_455, %add3A_456 : vector<16xi32>
    %swap3A_458 = arith.constant 800 : index
    %swap3A_459 = tpu.vector_load %arg5[%swap3A_458] {strides = array<i32>} : memref<1024xi32, #tpu.memory_space<vmem>>, vector<16xi32>,
    %swap3A_460 = vector.shape_cast %swap3A_459 : vector<16xi32> to vector<16xi32>
    %swap3A_461 = vector.shape_cast %add3A_457 : vector<16xi32> to vector<16xi32>
    tpu.vector_store %arg5[%swap3A_458], %swap3A_461 {strides = array<i32>} : memref<1024xi32, #tpu.memory_space<vmem>>, vector<16xi32>,
    %get3A_462 = arith.constant 816 : index
    %get3A_463 = tpu.vector_load %arg5[%get3A_462] {strides = array<i32>} : memref<1024xi32, #tpu.memory_space<vmem>>, vector<16xi32>,
    %get3A_464 = vector.shape_cast %get3A_463 : vector<16xi32> to vector<16xi32>
    %add3A_465 = vector.broadcast %mul3A_4 : i32 to vector<16xi32>
    %add3A_466 = arith.addi %get3A_464, %add3A_465 : vector<16xi32>
    %swap3A_467 = arith.constant 816 : index
    %swap3A_468 = tpu.vector_load %arg5[%swap3A_467] {strides = array<i32>} : memref<1024xi32, #tpu.memory_space<vmem>>, vector<16xi32>,
    %swap3A_469 = vector.shape_cast %swap3A_468 : vector<16xi32> to vector<16xi32>
    %swap3A_470 = vector.shape_cast %add3A_466 : vector<16xi32> to vector<16xi32>
    tpu.vector_store %arg5[%swap3A_467], %swap3A_470 {strides = array<i32>} : memref<1024xi32, #tpu.memory_space<vmem>>, vector<16xi32>,
    %get3A_471 = arith.constant 832 : index
    %get3A_472 = tpu.vector_load %arg5[%get3A_471] {strides = array<i32>} : memref<1024xi32, #tpu.memory_space<vmem>>, vector<16xi32>,
    %get3A_473 = vector.shape_cast %get3A_472 : vector<16xi32> to vector<16xi32>
    %add3A_474 = vector.broadcast %mul3A_4 : i32 to vector<16xi32>
    %add3A_475 = arith.addi %get3A_473, %add3A_474 : vector<16xi32>
    %swap3A_476 = arith.constant 832 : index
    %swap3A_477 = tpu.vector_load %arg5[%swap3A_476] {strides = array<i32>} : memref<1024xi32, #tpu.memory_space<vmem>>, vector<16xi32>,
    %swap3A_478 = vector.shape_cast %swap3A_477 : vector<16xi32> to vector<16xi32>
    %swap3A_479 = vector.shape_cast %add3A_475 : vector<16xi32> to vector<16xi32>
    tpu.vector_store %arg5[%swap3A_476], %swap3A_479 {strides = array<i32>} : memref<1024xi32, #tpu.memory_space<vmem>>, vector<16xi32>,
    %get3A_480 = arith.constant 848 : index
    %get3A_481 = tpu.vector_load %arg5[%get3A_480] {strides = array<i32>} : memref<1024xi32, #tpu.memory_space<vmem>>, vector<16xi32>,
    %get3A_482 = vector.shape_cast %get3A_481 : vector<16xi32> to vector<16xi32>
    %add3A_483 = vector.broadcast %mul3A_4 : i32 to vector<16xi32>
    %add3A_484 = arith.addi %get3A_482, %add3A_483 : vector<16xi32>
    %swap3A_485 = arith.constant 848 : index
    %swap3A_486 = tpu.vector_load %arg5[%swap3A_485] {strides = array<i32>} : memref<1024xi32, #tpu.memory_space<vmem>>, vector<16xi32>,
    %swap3A_487 = vector.shape_cast %swap3A_486 : vector<16xi32> to vector<16xi32>
    %swap3A_488 = vector.shape_cast %add3A_484 : vector<16xi32> to vector<16xi32>
    tpu.vector_store %arg5[%swap3A_485], %swap3A_488 {strides = array<i32>} : memref<1024xi32, #tpu.memory_space<vmem>>, vector<16xi32>,
    %get3A_489 = arith.constant 864 : index
    %get3A_490 = tpu.vector_load %arg5[%get3A_489] {strides = array<i32>} : memref<1024xi32, #tpu.memory_space<vmem>>, vector<16xi32>,
    %get3A_491 = vector.shape_cast %get3A_490 : vector<16xi32> to vector<16xi32>
    %add3A_492 = vector.broadcast %mul3A_4 : i32 to vector<16xi32>
    %add3A_493 = arith.addi %get3A_491, %add3A_492 : vector<16xi32>
    %swap3A_494 = arith.constant 864 : index
    %swap3A_495 = tpu.vector_load %arg5[%swap3A_494] {strides = array<i32>} : memref<1024xi32, #tpu.memory_space<vmem>>, vector<16xi32>,
    %swap3A_496 = vector.shape_cast %swap3A_495 : vector<16xi32> to vector<16xi32>
    %swap3A_497 = vector.shape_cast %add3A_493 : vector<16xi32> to vector<16xi32>
    tpu.vector_store %arg5[%swap3A_494], %swap3A_497 {strides = array<i32>} : memref<1024xi32, #tpu.memory_space<vmem>>, vector<16xi32>,
    %get3A_498 = arith.constant 880 : index
    %get3A_499 = tpu.vector_load %arg5[%get3A_498] {strides = array<i32>} : memref<1024xi32, #tpu.memory_space<vmem>>, vector<16xi32>,
    %get3A_500 = vector.shape_cast %get3A_499 : vector<16xi32> to vector<16xi32>
    %add3A_501 = vector.broadcast %mul3A_4 : i32 to vector<16xi32>
    %add3A_502 = arith.addi %get3A_500, %add3A_501 : vector<16xi32>
    %swap3A_503 = arith.constant 880 : index
    %swap3A_504 = tpu.vector_load %arg5[%swap3A_503] {strides = array<i32>} : memref<1024xi32, #tpu.memory_space<vmem>>, vector<16xi32>,
    %swap3A_505 = vector.shape_cast %swap3A_504 : vector<16xi32> to vector<16xi32>
    %swap3A_506 = vector.shape_cast %add3A_502 : vector<16xi32> to vector<16xi32>
    tpu.vector_store %arg5[%swap3A_503], %swap3A_506 {strides = array<i32>} : memref<1024xi32, #tpu.memory_space<vmem>>, vector<16xi32>,
    %get3A_507 = arith.constant 896 : index
    %get3A_508 = tpu.vector_load %arg5[%get3A_507] {strides = array<i32>} : memref<1024xi32, #tpu.memory_space<vmem>>, vector<16xi32>,
    %get3A_509 = vector.shape_cast %get3A_508 : vector<16xi32> to vector<16xi32>
    %add3A_510 = vector.broadcast %mul3A_4 : i32 to vector<16xi32>
    %add3A_511 = arith.addi %get3A_509, %add3A_510 : vector<16xi32>
    %swap3A_512 = arith.constant 896 : index
    %swap3A_513 = tpu.vector_load %arg5[%swap3A_512] {strides = array<i32>} : memref<1024xi32, #tpu.memory_space<vmem>>, vector<16xi32>,
    %swap3A_514 = vector.shape_cast %swap3A_513 : vector<16xi32> to vector<16xi32>
    %swap3A_515 = vector.shape_cast %add3A_511 : vector<16xi32> to vector<16xi32>
    tpu.vector_store %arg5[%swap3A_512], %swap3A_515 {strides = array<i32>} : memref<1024xi32, #tpu.memory_space<vmem>>, vector<16xi32>,
    %get3A_516 = arith.constant 912 : index
    %get3A_517 = tpu.vector_load %arg5[%get3A_516] {strides = array<i32>} : memref<1024xi32, #tpu.memory_space<vmem>>, vector<16xi32>,
    %get3A_518 = vector.shape_cast %get3A_517 : vector<16xi32> to vector<16xi32>
    %add3A_519 = vector.broadcast %mul3A_4 : i32 to vector<16xi32>
    %add3A_520 = arith.addi %get3A_518, %add3A_519 : vector<16xi32>
    %swap3A_521 = arith.constant 912 : index
    %swap3A_522 = tpu.vector_load %arg5[%swap3A_521] {strides = array<i32>} : memref<1024xi32, #tpu.memory_space<vmem>>, vector<16xi32>,
    %swap3A_523 = vector.shape_cast %swap3A_522 : vector<16xi32> to vector<16xi32>
    %swap3A_524 = vector.shape_cast %add3A_520 : vector<16xi32> to vector<16xi32>
    tpu.vector_store %arg5[%swap3A_521], %swap3A_524 {strides = array<i32>} : memref<1024xi32, #tpu.memory_space<vmem>>, vector<16xi32>,
    %get3A_525 = arith.constant 928 : index
    %get3A_526 = tpu.vector_load %arg5[%get3A_525] {strides = array<i32>} : memref<1024xi32, #tpu.memory_space<vmem>>, vector<16xi32>,
    %get3A_527 = vector.shape_cast %get3A_526 : vector<16xi32> to vector<16xi32>
    %add3A_528 = vector.broadcast %mul3A_4 : i32 to vector<16xi32>
    %add3A_529 = arith.addi %get3A_527, %add3A_528 : vector<16xi32>
    %swap3A_530 = arith.constant 928 : index
    %swap3A_531 = tpu.vector_load %arg5[%swap3A_530] {strides = array<i32>} : memref<1024xi32, #tpu.memory_space<vmem>>, vector<16xi32>,
    %swap3A_532 = vector.shape_cast %swap3A_531 : vector<16xi32> to vector<16xi32>
    %swap3A_533 = vector.shape_cast %add3A_529 : vector<16xi32> to vector<16xi32>
    tpu.vector_store %arg5[%swap3A_530], %swap3A_533 {strides = array<i32>} : memref<1024xi32, #tpu.memory_space<vmem>>, vector<16xi32>,
    %get3A_534 = arith.constant 944 : index
    %get3A_535 = tpu.vector_load %arg5[%get3A_534] {strides = array<i32>} : memref<1024xi32, #tpu.memory_space<vmem>>, vector<16xi32>,
    %get3A_536 = vector.shape_cast %get3A_535 : vector<16xi32> to vector<16xi32>
    %add3A_537 = vector.broadcast %mul3A_4 : i32 to vector<16xi32>
    %add3A_538 = arith.addi %get3A_536, %add3A_537 : vector<16xi32>
    %swap3A_539 = arith.constant 944 : index
    %swap3A_540 = tpu.vector_load %arg5[%swap3A_539] {strides = array<i32>} : memref<1024xi32, #tpu.memory_space<vmem>>, vector<16xi32>,
    %swap3A_541 = vector.shape_cast %swap3A_540 : vector<16xi32> to vector<16xi32>
    %swap3A_542 = vector.shape_cast %add3A_538 : vector<16xi32> to vector<16xi32>
    tpu.vector_store %arg5[%swap3A_539], %swap3A_542 {strides = array<i32>} : memref<1024xi32, #tpu.memory_space<vmem>>, vector<16xi32>,
    %get3A_543 = arith.constant 960 : index
    %get3A_544 = tpu.vector_load %arg5[%get3A_543] {strides = array<i32>} : memref<1024xi32, #tpu.memory_space<vmem>>, vector<16xi32>,
    %get3A_545 = vector.shape_cast %get3A_544 : vector<16xi32> to vector<16xi32>
    %add3A_546 = vector.broadcast %mul3A_4 : i32 to vector<16xi32>
    %add3A_547 = arith.addi %get3A_545, %add3A_546 : vector<16xi32>
    %swap3A_548 = arith.constant 960 : index
    %swap3A_549 = tpu.vector_load %arg5[%swap3A_548] {strides = array<i32>} : memref<1024xi32, #tpu.memory_space<vmem>>, vector<16xi32>,
    %swap3A_550 = vector.shape_cast %swap3A_549 : vector<16xi32> to vector<16xi32>
    %swap3A_551 = vector.shape_cast %add3A_547 : vector<16xi32> to vector<16xi32>
    tpu.vector_store %arg5[%swap3A_548], %swap3A_551 {strides = array<i32>} : memref<1024xi32, #tpu.memory_space<vmem>>, vector<16xi32>,
    %get3A_552 = arith.constant 976 : index
    %get3A_553 = tpu.vector_load %arg5[%get3A_552] {strides = array<i32>} : memref<1024xi32, #tpu.memory_space<vmem>>, vector<16xi32>,
    %get3A_554 = vector.shape_cast %get3A_553 : vector<16xi32> to vector<16xi32>
    %add3A_555 = vector.broadcast %mul3A_4 : i32 to vector<16xi32>
    %add3A_556 = arith.addi %get3A_554, %add3A_555 : vector<16xi32>
    %swap3A_557 = arith.constant 976 : index
    %swap3A_558 = tpu.vector_load %arg5[%swap3A_557] {strides = array<i32>} : memref<1024xi32, #tpu.memory_space<vmem>>, vector<16xi32>,
    %swap3A_559 = vector.shape_cast %swap3A_558 : vector<16xi32> to vector<16xi32>
    %swap3A_560 = vector.shape_cast %add3A_556 : vector<16xi32> to vector<16xi32>
    tpu.vector_store %arg5[%swap3A_557], %swap3A_560 {strides = array<i32>} : memref<1024xi32, #tpu.memory_space<vmem>>, vector<16xi32>,
    %get3A_561 = arith.constant 992 : index
    %get3A_562 = tpu.vector_load %arg5[%get3A_561] {strides = array<i32>} : memref<1024xi32, #tpu.memory_space<vmem>>, vector<16xi32>,
    %get3A_563 = vector.shape_cast %get3A_562 : vector<16xi32> to vector<16xi32>
    %add3A_564 = vector.broadcast %mul3A_4 : i32 to vector<16xi32>
    %add3A_565 = arith.addi %get3A_563, %add3A_564 : vector<16xi32>
    %swap3A_566 = arith.constant 992 : index
    %swap3A_567 = tpu.vector_load %arg5[%swap3A_566] {strides = array<i32>} : memref<1024xi32, #tpu.memory_space<vmem>>, vector<16xi32>,
    %swap3A_568 = vector.shape_cast %swap3A_567 : vector<16xi32> to vector<16xi32>
    %swap3A_569 = vector.shape_cast %add3A_565 : vector<16xi32> to vector<16xi32>
    tpu.vector_store %arg5[%swap3A_566], %swap3A_569 {strides = array<i32>} : memref<1024xi32, #tpu.memory_space<vmem>>, vector<16xi32>,
    %get3A_570 = arith.constant 1008 : index
    %get3A_571 = tpu.vector_load %arg5[%get3A_570] {strides = array<i32>} : memref<1024xi32, #tpu.memory_space<vmem>>, vector<16xi32>,
    %get3A_572 = vector.shape_cast %get3A_571 : vector<16xi32> to vector<16xi32>
    %add3A_573 = vector.broadcast %mul3A_4 : i32 to vector<16xi32>
    %add3A_574 = arith.addi %get3A_572, %add3A_573 : vector<16xi32>
    %swap3A_575 = arith.constant 1008 : index
    %swap3A_576 = tpu.vector_load %arg5[%swap3A_575] {strides = array<i32>} : memref<1024xi32, #tpu.memory_space<vmem>>, vector<16xi32>,
    %swap3A_577 = vector.shape_cast %swap3A_576 : vector<16xi32> to vector<16xi32>
    %swap3A_578 = vector.shape_cast %add3A_574 : vector<16xi32> to vector<16xi32>
    tpu.vector_store %arg5[%swap3A_575], %swap3A_578 {strides = array<i32>} : memref<1024xi32, #tpu.memory_space<vmem>>, vector<16xi32>,
    %dma_start3A = arith.constant 0 : i32
    %dma_start3A_579 = tpu.memref_slice %arg5[%dma_start3A] : memref<1024xi32, #tpu.memory_space<vmem>> -> memref<128xi32, #tpu.memory_space<vmem>>
    %dma_start3A_580 = arith.constant 0 : i32
    %dma_start3A_581 = arith.constant 0 : i32
    %dma_start3A_582 = tpu.memref_slice %arg2[%dma_start3A_580, %dma_start3A_581] : memref<512x256xf32, #tpu.memory_space<hbm>> -> memref<512x256xf32, #tpu.memory_space<hbm>>
    tpu.enqueue_indirect_dma source(%dma_start3A_582 : memref<512x256xf32, #tpu.memory_space<hbm>>) target(%arg6 : memref<128x256xf32, #tpu.memory_space<vmem>>) offsets(%dma_start3A_579 : memref<128xi32, #tpu.memory_space<vmem>>) semaphore(%arg9 : memref<!tpu.dma_semaphore, #tpu.memory_space<semaphore_mem>>)
    %dma_start3A_583 = arith.constant 128 : i32
    %dma_start3A_584 = tpu.memref_slice %arg5[%dma_start3A_583] : memref<1024xi32, #tpu.memory_space<vmem>> -> memref<128xi32, #tpu.memory_space<vmem>>
    %dma_start3A_585 = arith.constant 0 : i32
    %dma_start3A_586 = arith.constant 0 : i32
    %dma_start3A_587 = tpu.memref_slice %arg2[%dma_start3A_585, %dma_start3A_586] : memref<512x256xf32, #tpu.memory_space<hbm>> -> memref<512x256xf32, #tpu.memory_space<hbm>>
    tpu.enqueue_indirect_dma source(%dma_start3A_587 : memref<512x256xf32, #tpu.memory_space<hbm>>) target(%arg7 : memref<128x256xf32, #tpu.memory_space<vmem>>) offsets(%dma_start3A_584 : memref<128xi32, #tpu.memory_space<vmem>>) semaphore(%arg10 : memref<!tpu.dma_semaphore, #tpu.memory_space<semaphore_mem>>)
    %dma_wait3A = arith.constant 0 : i32
    %dma_wait3A_588 = tpu.memref_slice %arg5[%dma_wait3A] : memref<1024xi32, #tpu.memory_space<vmem>> -> memref<128xi32, #tpu.memory_space<vmem>>
    %dma_wait3A_589 = arith.constant 0 : i32
    %dma_wait3A_590 = arith.constant 0 : i32
    %dma_wait3A_591 = tpu.memref_slice %arg2[%dma_wait3A_589, %dma_wait3A_590] : memref<512x256xf32, #tpu.memory_space<hbm>> -> memref<512x256xf32, #tpu.memory_space<hbm>>
    tpu.wait_indirect_dma semaphore(%arg9 : memref<!tpu.dma_semaphore, #tpu.memory_space<semaphore_mem>>) src(%dma_wait3A_591 : memref<512x256xf32, #tpu.memory_space<hbm>>) dst(%arg6 : memref<128x256xf32, #tpu.memory_space<vmem>>)
    %add3A_592 = arith.constant 0 : i32
    %add3A_593 = arith.addi %mul3A_2, %add3A_592 : i32
    %dma_start3A_594 = arith.constant 0 : i32
    %dma_start3A_595 = tpu.memref_slice %arg4[%add3A_593, %dma_start3A_594] : memref<32768x256xf32, #tpu.memory_space<hbm>> -> memref<128x256xf32, #tpu.memory_space<hbm>>
    %dma_start3A_596 = arith.constant 0 : i32
    %dma_start3A_597 = tpu.memref_slice %arg4[%add3A_593, %dma_start3A_596] : memref<32768x256xf32, #tpu.memory_space<hbm>> -> memref<128x256xf32, #tpu.memory_space<hbm>>
    tpu.enqueue_dma source(%arg6 : memref<128x256xf32, #tpu.memory_space<vmem>>) target(%dma_start3A_597 : memref<128x256xf32, #tpu.memory_space<hbm>>) target_semaphore(%arg12 : memref<!tpu.dma_semaphore, #tpu.memory_space<semaphore_mem>>)
    %dma_start3A_598 = arith.constant 256 : i32
    %dma_start3A_599 = tpu.memref_slice %arg5[%dma_start3A_598] : memref<1024xi32, #tpu.memory_space<vmem>> -> memref<128xi32, #tpu.memory_space<vmem>>
    %dma_start3A_600 = arith.constant 0 : i32
    %dma_start3A_601 = arith.constant 0 : i32
    %dma_start3A_602 = tpu.memref_slice %arg2[%dma_start3A_600, %dma_start3A_601] : memref<512x256xf32, #tpu.memory_space<hbm>> -> memref<512x256xf32, #tpu.memory_space<hbm>>
    tpu.enqueue_indirect_dma source(%dma_start3A_602 : memref<512x256xf32, #tpu.memory_space<hbm>>) target(%arg8 : memref<128x256xf32, #tpu.memory_space<vmem>>) offsets(%dma_start3A_599 : memref<128xi32, #tpu.memory_space<vmem>>) semaphore(%arg11 : memref<!tpu.dma_semaphore, #tpu.memory_space<semaphore_mem>>)
    %dma_wait3A_603 = arith.constant 128 : i32
    %dma_wait3A_604 = tpu.memref_slice %arg5[%dma_wait3A_603] : memref<1024xi32, #tpu.memory_space<vmem>> -> memref<128xi32, #tpu.memory_space<vmem>>
    %dma_wait3A_605 = arith.constant 0 : i32
    %dma_wait3A_606 = arith.constant 0 : i32
    %dma_wait3A_607 = tpu.memref_slice %arg2[%dma_wait3A_605, %dma_wait3A_606] : memref<512x256xf32, #tpu.memory_space<hbm>> -> memref<512x256xf32, #tpu.memory_space<hbm>>
    tpu.wait_indirect_dma semaphore(%arg10 : memref<!tpu.dma_semaphore, #tpu.memory_space<semaphore_mem>>) src(%dma_wait3A_607 : memref<512x256xf32, #tpu.memory_space<hbm>>) dst(%arg7 : memref<128x256xf32, #tpu.memory_space<vmem>>)
    %add3A_608 = arith.constant 128 : i32
    %add3A_609 = arith.addi %mul3A_2, %add3A_608 : i32
    %dma_start3A_610 = arith.constant 0 : i32
    %dma_start3A_611 = tpu.memref_slice %arg4[%add3A_609, %dma_start3A_610] : memref<32768x256xf32, #tpu.memory_space<hbm>> -> memref<128x256xf32, #tpu.memory_space<hbm>>
    %dma_start3A_612 = arith.constant 0 : i32
    %dma_start3A_613 = tpu.memref_slice %arg4[%add3A_609, %dma_start3A_612] : memref<32768x256xf32, #tpu.memory_space<hbm>> -> memref<128x256xf32, #tpu.memory_space<hbm>>
    tpu.enqueue_dma source(%arg7 : memref<128x256xf32, #tpu.memory_space<vmem>>) target(%dma_start3A_613 : memref<128x256xf32, #tpu.memory_space<hbm>>) target_semaphore(%arg13 : memref<!tpu.dma_semaphore, #tpu.memory_space<semaphore_mem>>)
    %dma_wait3A_614 = arith.constant 0 : i32
    %dma_wait3A_615 = tpu.memref_slice %arg4[%add3A_593, %dma_wait3A_614] : memref<32768x256xf32, #tpu.memory_space<hbm>> -> memref<128x256xf32, #tpu.memory_space<hbm>>
    %dma_wait3A_616 = arith.constant 0 : i32
    %dma_wait3A_617 = tpu.memref_slice %arg4[%add3A_593, %dma_wait3A_616] : memref<32768x256xf32, #tpu.memory_space<hbm>> -> memref<128x256xf32, #tpu.memory_space<hbm>>
    tpu.wait_dma2 semaphore(%arg12 : memref<!tpu.dma_semaphore, #tpu.memory_space<semaphore_mem>>) src(%arg6 : memref<128x256xf32, #tpu.memory_space<vmem>>) dst(%dma_wait3A_617 : memref<128x256xf32, #tpu.memory_space<hbm>>)
    %dma_start3A_618 = arith.constant 384 : i32
    %dma_start3A_619 = tpu.memref_slice %arg5[%dma_start3A_618] : memref<1024xi32, #tpu.memory_space<vmem>> -> memref<128xi32, #tpu.memory_space<vmem>>
    %dma_start3A_620 = arith.constant 0 : i32
    %dma_start3A_621 = arith.constant 0 : i32
    %dma_start3A_622 = tpu.memref_slice %arg2[%dma_start3A_620, %dma_start3A_621] : memref<512x256xf32, #tpu.memory_space<hbm>> -> memref<512x256xf32, #tpu.memory_space<hbm>>
    tpu.enqueue_indirect_dma source(%dma_start3A_622 : memref<512x256xf32, #tpu.memory_space<hbm>>) target(%arg6 : memref<128x256xf32, #tpu.memory_space<vmem>>) offsets(%dma_start3A_619 : memref<128xi32, #tpu.memory_space<vmem>>) semaphore(%arg9 : memref<!tpu.dma_semaphore, #tpu.memory_space<semaphore_mem>>)
    %dma_wait3A_623 = arith.constant 256 : i32
    %dma_wait3A_624 = tpu.memref_slice %arg5[%dma_wait3A_623] : memref<1024xi32, #tpu.memory_space<vmem>> -> memref<128xi32, #tpu.memory_space<vmem>>
    %dma_wait3A_625 = arith.constant 0 : i32
    %dma_wait3A_626 = arith.constant 0 : i32
    %dma_wait3A_627 = tpu.memref_slice %arg2[%dma_wait3A_625, %dma_wait3A_626] : memref<512x256xf32, #tpu.memory_space<hbm>> -> memref<512x256xf32, #tpu.memory_space<hbm>>
    tpu.wait_indirect_dma semaphore(%arg11 : memref<!tpu.dma_semaphore, #tpu.memory_space<semaphore_mem>>) src(%dma_wait3A_627 : memref<512x256xf32, #tpu.memory_space<hbm>>) dst(%arg8 : memref<128x256xf32, #tpu.memory_space<vmem>>)
    %add3A_628 = arith.constant 256 : i32
    %add3A_629 = arith.addi %mul3A_2, %add3A_628 : i32
    %dma_start3A_630 = arith.constant 0 : i32
    %dma_start3A_631 = tpu.memref_slice %arg4[%add3A_629, %dma_start3A_630] : memref<32768x256xf32, #tpu.memory_space<hbm>> -> memref<128x256xf32, #tpu.memory_space<hbm>>
    %dma_start3A_632 = arith.constant 0 : i32
    %dma_start3A_633 = tpu.memref_slice %arg4[%add3A_629, %dma_start3A_632] : memref<32768x256xf32, #tpu.memory_space<hbm>> -> memref<128x256xf32, #tpu.memory_space<hbm>>
    tpu.enqueue_dma source(%arg8 : memref<128x256xf32, #tpu.memory_space<vmem>>) target(%dma_start3A_633 : memref<128x256xf32, #tpu.memory_space<hbm>>) target_semaphore(%arg14 : memref<!tpu.dma_semaphore, #tpu.memory_space<semaphore_mem>>)
    %dma_wait3A_634 = arith.constant 0 : i32
    %dma_wait3A_635 = tpu.memref_slice %arg4[%add3A_609, %dma_wait3A_634] : memref<32768x256xf32, #tpu.memory_space<hbm>> -> memref<128x256xf32, #tpu.memory_space<hbm>>
    %dma_wait3A_636 = arith.constant 0 : i32
    %dma_wait3A_637 = tpu.memref_slice %arg4[%add3A_609, %dma_wait3A_636] : memref<32768x256xf32, #tpu.memory_space<hbm>> -> memref<128x256xf32, #tpu.memory_space<hbm>>
    tpu.wait_dma2 semaphore(%arg13 : memref<!tpu.dma_semaphore, #tpu.memory_space<semaphore_mem>>) src(%arg7 : memref<128x256xf32, #tpu.memory_space<vmem>>) dst(%dma_wait3A_637 : memref<128x256xf32, #tpu.memory_space<hbm>>)
    %dma_start3A_638 = arith.constant 512 : i32
    %dma_start3A_639 = tpu.memref_slice %arg5[%dma_start3A_638] : memref<1024xi32, #tpu.memory_space<vmem>> -> memref<128xi32, #tpu.memory_space<vmem>>
    %dma_start3A_640 = arith.constant 0 : i32
    %dma_start3A_641 = arith.constant 0 : i32
    %dma_start3A_642 = tpu.memref_slice %arg2[%dma_start3A_640, %dma_start3A_641] : memref<512x256xf32, #tpu.memory_space<hbm>> -> memref<512x256xf32, #tpu.memory_space<hbm>>
    tpu.enqueue_indirect_dma source(%dma_start3A_642 : memref<512x256xf32, #tpu.memory_space<hbm>>) target(%arg7 : memref<128x256xf32, #tpu.memory_space<vmem>>) offsets(%dma_start3A_639 : memref<128xi32, #tpu.memory_space<vmem>>) semaphore(%arg10 : memref<!tpu.dma_semaphore, #tpu.memory_space<semaphore_mem>>)
    %dma_wait3A_643 = arith.constant 384 : i32
    %dma_wait3A_644 = tpu.memref_slice %arg5[%dma_wait3A_643] : memref<1024xi32, #tpu.memory_space<vmem>> -> memref<128xi32, #tpu.memory_space<vmem>>
    %dma_wait3A_645 = arith.constant 0 : i32
    %dma_wait3A_646 = arith.constant 0 : i32
    %dma_wait3A_647 = tpu.memref_slice %arg2[%dma_wait3A_645, %dma_wait3A_646] : memref<512x256xf32, #tpu.memory_space<hbm>> -> memref<512x256xf32, #tpu.memory_space<hbm>>
    tpu.wait_indirect_dma semaphore(%arg9 : memref<!tpu.dma_semaphore, #tpu.memory_space<semaphore_mem>>) src(%dma_wait3A_647 : memref<512x256xf32, #tpu.memory_space<hbm>>) dst(%arg6 : memref<128x256xf32, #tpu.memory_space<vmem>>)
    %add3A_648 = arith.constant 384 : i32
    %add3A_649 = arith.addi %mul3A_2, %add3A_648 : i32
    %dma_start3A_650 = arith.constant 0 : i32
    %dma_start3A_651 = tpu.memref_slice %arg4[%add3A_649, %dma_start3A_650] : memref<32768x256xf32, #tpu.memory_space<hbm>> -> memref<128x256xf32, #tpu.memory_space<hbm>>
    %dma_start3A_652 = arith.constant 0 : i32
    %dma_start3A_653 = tpu.memref_slice %arg4[%add3A_649, %dma_start3A_652] : memref<32768x256xf32, #tpu.memory_space<hbm>> -> memref<128x256xf32, #tpu.memory_space<hbm>>
    tpu.enqueue_dma source(%arg6 : memref<128x256xf32, #tpu.memory_space<vmem>>) target(%dma_start3A_653 : memref<128x256xf32, #tpu.memory_space<hbm>>) target_semaphore(%arg12 : memref<!tpu.dma_semaphore, #tpu.memory_space<semaphore_mem>>)
    %dma_wait3A_654 = arith.constant 0 : i32
    %dma_wait3A_655 = tpu.memref_slice %arg4[%add3A_629, %dma_wait3A_654] : memref<32768x256xf32, #tpu.memory_space<hbm>> -> memref<128x256xf32, #tpu.memory_space<hbm>>
    %dma_wait3A_656 = arith.constant 0 : i32
    %dma_wait3A_657 = tpu.memref_slice %arg4[%add3A_629, %dma_wait3A_656] : memref<32768x256xf32, #tpu.memory_space<hbm>> -> memref<128x256xf32, #tpu.memory_space<hbm>>
    tpu.wait_dma2 semaphore(%arg14 : memref<!tpu.dma_semaphore, #tpu.memory_space<semaphore_mem>>) src(%arg8 : memref<128x256xf32, #tpu.memory_space<vmem>>) dst(%dma_wait3A_657 : memref<128x256xf32, #tpu.memory_space<hbm>>)
    %dma_start3A_658 = arith.constant 640 : i32
    %dma_start3A_659 = tpu.memref_slice %arg5[%dma_start3A_658] : memref<1024xi32, #tpu.memory_space<vmem>> -> memref<128xi32, #tpu.memory_space<vmem>>
    %dma_start3A_660 = arith.constant 0 : i32
    %dma_start3A_661 = arith.constant 0 : i32
    %dma_start3A_662 = tpu.memref_slice %arg2[%dma_start3A_660, %dma_start3A_661] : memref<512x256xf32, #tpu.memory_space<hbm>> -> memref<512x256xf32, #tpu.memory_space<hbm>>
    tpu.enqueue_indirect_dma source(%dma_start3A_662 : memref<512x256xf32, #tpu.memory_space<hbm>>) target(%arg8 : memref<128x256xf32, #tpu.memory_space<vmem>>) offsets(%dma_start3A_659 : memref<128xi32, #tpu.memory_space<vmem>>) semaphore(%arg11 : memref<!tpu.dma_semaphore, #tpu.memory_space<semaphore_mem>>)
    %dma_wait3A_663 = arith.constant 512 : i32
    %dma_wait3A_664 = tpu.memref_slice %arg5[%dma_wait3A_663] : memref<1024xi32, #tpu.memory_space<vmem>> -> memref<128xi32, #tpu.memory_space<vmem>>
    %dma_wait3A_665 = arith.constant 0 : i32
    %dma_wait3A_666 = arith.constant 0 : i32
    %dma_wait3A_667 = tpu.memref_slice %arg2[%dma_wait3A_665, %dma_wait3A_666] : memref<512x256xf32, #tpu.memory_space<hbm>> -> memref<512x256xf32, #tpu.memory_space<hbm>>
    tpu.wait_indirect_dma semaphore(%arg10 : memref<!tpu.dma_semaphore, #tpu.memory_space<semaphore_mem>>) src(%dma_wait3A_667 : memref<512x256xf32, #tpu.memory_space<hbm>>) dst(%arg7 : memref<128x256xf32, #tpu.memory_space<vmem>>)
    %add3A_668 = arith.constant 512 : i32
    %add3A_669 = arith.addi %mul3A_2, %add3A_668 : i32
    %dma_start3A_670 = arith.constant 0 : i32
    %dma_start3A_671 = tpu.memref_slice %arg4[%add3A_669, %dma_start3A_670] : memref<32768x256xf32, #tpu.memory_space<hbm>> -> memref<128x256xf32, #tpu.memory_space<hbm>>
    %dma_start3A_672 = arith.constant 0 : i32
    %dma_start3A_673 = tpu.memref_slice %arg4[%add3A_669, %dma_start3A_672] : memref<32768x256xf32, #tpu.memory_space<hbm>> -> memref<128x256xf32, #tpu.memory_space<hbm>>
    tpu.enqueue_dma source(%arg7 : memref<128x256xf32, #tpu.memory_space<vmem>>) target(%dma_start3A_673 : memref<128x256xf32, #tpu.memory_space<hbm>>) target_semaphore(%arg13 : memref<!tpu.dma_semaphore, #tpu.memory_space<semaphore_mem>>)
    %dma_wait3A_674 = arith.constant 0 : i32
    %dma_wait3A_675 = tpu.memref_slice %arg4[%add3A_649, %dma_wait3A_674] : memref<32768x256xf32, #tpu.memory_space<hbm>> -> memref<128x256xf32, #tpu.memory_space<hbm>>
    %dma_wait3A_676 = arith.constant 0 : i32
    %dma_wait3A_677 = tpu.memref_slice %arg4[%add3A_649, %dma_wait3A_676] : memref<32768x256xf32, #tpu.memory_space<hbm>> -> memref<128x256xf32, #tpu.memory_space<hbm>>
    tpu.wait_dma2 semaphore(%arg12 : memref<!tpu.dma_semaphore, #tpu.memory_space<semaphore_mem>>) src(%arg6 : memref<128x256xf32, #tpu.memory_space<vmem>>) dst(%dma_wait3A_677 : memref<128x256xf32, #tpu.memory_space<hbm>>)
    %dma_start3A_678 = arith.constant 768 : i32
    %dma_start3A_679 = tpu.memref_slice %arg5[%dma_start3A_678] : memref<1024xi32, #tpu.memory_space<vmem>> -> memref<128xi32, #tpu.memory_space<vmem>>
    %dma_start3A_680 = arith.constant 0 : i32
    %dma_start3A_681 = arith.constant 0 : i32
    %dma_start3A_682 = tpu.memref_slice %arg2[%dma_start3A_680, %dma_start3A_681] : memref<512x256xf32, #tpu.memory_space<hbm>> -> memref<512x256xf32, #tpu.memory_space<hbm>>
    tpu.enqueue_indirect_dma source(%dma_start3A_682 : memref<512x256xf32, #tpu.memory_space<hbm>>) target(%arg6 : memref<128x256xf32, #tpu.memory_space<vmem>>) offsets(%dma_start3A_679 : memref<128xi32, #tpu.memory_space<vmem>>) semaphore(%arg9 : memref<!tpu.dma_semaphore, #tpu.memory_space<semaphore_mem>>)
    %dma_wait3A_683 = arith.constant 640 : i32
    %dma_wait3A_684 = tpu.memref_slice %arg5[%dma_wait3A_683] : memref<1024xi32, #tpu.memory_space<vmem>> -> memref<128xi32, #tpu.memory_space<vmem>>
    %dma_wait3A_685 = arith.constant 0 : i32
    %dma_wait3A_686 = arith.constant 0 : i32
    %dma_wait3A_687 = tpu.memref_slice %arg2[%dma_wait3A_685, %dma_wait3A_686] : memref<512x256xf32, #tpu.memory_space<hbm>> -> memref<512x256xf32, #tpu.memory_space<hbm>>
    tpu.wait_indirect_dma semaphore(%arg11 : memref<!tpu.dma_semaphore, #tpu.memory_space<semaphore_mem>>) src(%dma_wait3A_687 : memref<512x256xf32, #tpu.memory_space<hbm>>) dst(%arg8 : memref<128x256xf32, #tpu.memory_space<vmem>>)
    %add3A_688 = arith.constant 640 : i32
    %add3A_689 = arith.addi %mul3A_2, %add3A_688 : i32
    %dma_start3A_690 = arith.constant 0 : i32
    %dma_start3A_691 = tpu.memref_slice %arg4[%add3A_689, %dma_start3A_690] : memref<32768x256xf32, #tpu.memory_space<hbm>> -> memref<128x256xf32, #tpu.memory_space<hbm>>
    %dma_start3A_692 = arith.constant 0 : i32
    %dma_start3A_693 = tpu.memref_slice %arg4[%add3A_689, %dma_start3A_692] : memref<32768x256xf32, #tpu.memory_space<hbm>> -> memref<128x256xf32, #tpu.memory_space<hbm>>
    tpu.enqueue_dma source(%arg8 : memref<128x256xf32, #tpu.memory_space<vmem>>) target(%dma_start3A_693 : memref<128x256xf32, #tpu.memory_space<hbm>>) target_semaphore(%arg14 : memref<!tpu.dma_semaphore, #tpu.memory_space<semaphore_mem>>)
    %dma_wait3A_694 = arith.constant 0 : i32
    %dma_wait3A_695 = tpu.memref_slice %arg4[%add3A_669, %dma_wait3A_694] : memref<32768x256xf32, #tpu.memory_space<hbm>> -> memref<128x256xf32, #tpu.memory_space<hbm>>
    %dma_wait3A_696 = arith.constant 0 : i32
    %dma_wait3A_697 = tpu.memref_slice %arg4[%add3A_669, %dma_wait3A_696] : memref<32768x256xf32, #tpu.memory_space<hbm>> -> memref<128x256xf32, #tpu.memory_space<hbm>>
    tpu.wait_dma2 semaphore(%arg13 : memref<!tpu.dma_semaphore, #tpu.memory_space<semaphore_mem>>) src(%arg7 : memref<128x256xf32, #tpu.memory_space<vmem>>) dst(%dma_wait3A_697 : memref<128x256xf32, #tpu.memory_space<hbm>>)
    %dma_start3A_698 = arith.constant 896 : i32
    %dma_start3A_699 = tpu.memref_slice %arg5[%dma_start3A_698] : memref<1024xi32, #tpu.memory_space<vmem>> -> memref<128xi32, #tpu.memory_space<vmem>>
    %dma_start3A_700 = arith.constant 0 : i32
    %dma_start3A_701 = arith.constant 0 : i32
    %dma_start3A_702 = tpu.memref_slice %arg2[%dma_start3A_700, %dma_start3A_701] : memref<512x256xf32, #tpu.memory_space<hbm>> -> memref<512x256xf32, #tpu.memory_space<hbm>>
    tpu.enqueue_indirect_dma source(%dma_start3A_702 : memref<512x256xf32, #tpu.memory_space<hbm>>) target(%arg7 : memref<128x256xf32, #tpu.memory_space<vmem>>) offsets(%dma_start3A_699 : memref<128xi32, #tpu.memory_space<vmem>>) semaphore(%arg10 : memref<!tpu.dma_semaphore, #tpu.memory_space<semaphore_mem>>)
    %dma_wait3A_703 = arith.constant 768 : i32
    %dma_wait3A_704 = tpu.memref_slice %arg5[%dma_wait3A_703] : memref<1024xi32, #tpu.memory_space<vmem>> -> memref<128xi32, #tpu.memory_space<vmem>>
    %dma_wait3A_705 = arith.constant 0 : i32
    %dma_wait3A_706 = arith.constant 0 : i32
    %dma_wait3A_707 = tpu.memref_slice %arg2[%dma_wait3A_705, %dma_wait3A_706] : memref<512x256xf32, #tpu.memory_space<hbm>> -> memref<512x256xf32, #tpu.memory_space<hbm>>
    tpu.wait_indirect_dma semaphore(%arg9 : memref<!tpu.dma_semaphore, #tpu.memory_space<semaphore_mem>>) src(%dma_wait3A_707 : memref<512x256xf32, #tpu.memory_space<hbm>>) dst(%arg6 : memref<128x256xf32, #tpu.memory_space<vmem>>)
    %add3A_708 = arith.constant 768 : i32
    %add3A_709 = arith.addi %mul3A_2, %add3A_708 : i32
    %dma_start3A_710 = arith.constant 0 : i32
    %dma_start3A_711 = tpu.memref_slice %arg4[%add3A_709, %dma_start3A_710] : memref<32768x256xf32, #tpu.memory_space<hbm>> -> memref<128x256xf32, #tpu.memory_space<hbm>>
    %dma_start3A_712 = arith.constant 0 : i32
    %dma_start3A_713 = tpu.memref_slice %arg4[%add3A_709, %dma_start3A_712] : memref<32768x256xf32, #tpu.memory_space<hbm>> -> memref<128x256xf32, #tpu.memory_space<hbm>>
    tpu.enqueue_dma source(%arg6 : memref<128x256xf32, #tpu.memory_space<vmem>>) target(%dma_start3A_713 : memref<128x256xf32, #tpu.memory_space<hbm>>) target_semaphore(%arg12 : memref<!tpu.dma_semaphore, #tpu.memory_space<semaphore_mem>>)
    %dma_wait3A_714 = arith.constant 896 : i32
    %dma_wait3A_715 = tpu.memref_slice %arg5[%dma_wait3A_714] : memref<1024xi32, #tpu.memory_space<vmem>> -> memref<128xi32, #tpu.memory_space<vmem>>
    %dma_wait3A_716 = arith.constant 0 : i32
    %dma_wait3A_717 = arith.constant 0 : i32
    %dma_wait3A_718 = tpu.memref_slice %arg2[%dma_wait3A_716, %dma_wait3A_717] : memref<512x256xf32, #tpu.memory_space<hbm>> -> memref<512x256xf32, #tpu.memory_space<hbm>>
    tpu.wait_indirect_dma semaphore(%arg10 : memref<!tpu.dma_semaphore, #tpu.memory_space<semaphore_mem>>) src(%dma_wait3A_718 : memref<512x256xf32, #tpu.memory_space<hbm>>) dst(%arg7 : memref<128x256xf32, #tpu.memory_space<vmem>>)
    %add3A_719 = arith.constant 896 : i32
    %add3A_720 = arith.addi %mul3A_2, %add3A_719 : i32
    %dma_start3A_721 = arith.constant 0 : i32
    %dma_start3A_722 = tpu.memref_slice %arg4[%add3A_720, %dma_start3A_721] : memref<32768x256xf32, #tpu.memory_space<hbm>> -> memref<128x256xf32, #tpu.memory_space<hbm>>
    %dma_start3A_723 = arith.constant 0 : i32
    %dma_start3A_724 = tpu.memref_slice %arg4[%add3A_720, %dma_start3A_723] : memref<32768x256xf32, #tpu.memory_space<hbm>> -> memref<128x256xf32, #tpu.memory_space<hbm>>
    tpu.enqueue_dma source(%arg7 : memref<128x256xf32, #tpu.memory_space<vmem>>) target(%dma_start3A_724 : memref<128x256xf32, #tpu.memory_space<hbm>>) target_semaphore(%arg13 : memref<!tpu.dma_semaphore, #tpu.memory_space<semaphore_mem>>)
    %dma_wait3A_725 = arith.constant 0 : i32
    %dma_wait3A_726 = tpu.memref_slice %arg4[%add3A_689, %dma_wait3A_725] : memref<32768x256xf32, #tpu.memory_space<hbm>> -> memref<128x256xf32, #tpu.memory_space<hbm>>
    %dma_wait3A_727 = arith.constant 0 : i32
    %dma_wait3A_728 = tpu.memref_slice %arg4[%add3A_689, %dma_wait3A_727] : memref<32768x256xf32, #tpu.memory_space<hbm>> -> memref<128x256xf32, #tpu.memory_space<hbm>>
    tpu.wait_dma2 semaphore(%arg14 : memref<!tpu.dma_semaphore, #tpu.memory_space<semaphore_mem>>) src(%arg8 : memref<128x256xf32, #tpu.memory_space<vmem>>) dst(%dma_wait3A_728 : memref<128x256xf32, #tpu.memory_space<hbm>>)
    %dma_wait3A_729 = arith.constant 0 : i32
    %dma_wait3A_730 = tpu.memref_slice %arg4[%add3A_709, %dma_wait3A_729] : memref<32768x256xf32, #tpu.memory_space<hbm>> -> memref<128x256xf32, #tpu.memory_space<hbm>>
    %dma_wait3A_731 = arith.constant 0 : i32
    %dma_wait3A_732 = tpu.memref_slice %arg4[%add3A_709, %dma_wait3A_731] : memref<32768x256xf32, #tpu.memory_space<hbm>> -> memref<128x256xf32, #tpu.memory_space<hbm>>
    tpu.wait_dma2 semaphore(%arg12 : memref<!tpu.dma_semaphore, #tpu.memory_space<semaphore_mem>>) src(%arg6 : memref<128x256xf32, #tpu.memory_space<vmem>>) dst(%dma_wait3A_732 : memref<128x256xf32, #tpu.memory_space<hbm>>)
    %dma_wait3A_733 = arith.constant 0 : i32
    %dma_wait3A_734 = tpu.memref_slice %arg4[%add3A_720, %dma_wait3A_733] : memref<32768x256xf32, #tpu.memory_space<hbm>> -> memref<128x256xf32, #tpu.memory_space<hbm>>
    %dma_wait3A_735 = arith.constant 0 : i32
    %dma_wait3A_736 = tpu.memref_slice %arg4[%add3A_720, %dma_wait3A_735] : memref<32768x256xf32, #tpu.memory_space<hbm>> -> memref<128x256xf32, #tpu.memory_space<hbm>>
    tpu.wait_dma2 semaphore(%arg13 : memref<!tpu.dma_semaphore, #tpu.memory_space<semaphore_mem>>) src(%arg7 : memref<128x256xf32, #tpu.memory_space<vmem>>) dst(%dma_wait3A_736 : memref<128x256xf32, #tpu.memory_space<hbm>>)
    return
  }
}

module attributes {stable_mosaic.version = 14 : i64} {
  func.func @_build_table_body(%arg0: memref<16x1xi32, #tpu.memory_space<vmem>>, %arg1: memref<16x128xf32, #tpu.memory_space<vmem>>, %arg2: memref<32x16x256xf32, #tpu.memory_space<vmem>>) attributes {dimension_semantics = [], scalar_prefetch = 0 : i64, scratch_operands = 0 : i64, tpu.core_type = #tpu.core_type<tc>} {
    %get3A = arith.constant 0 : index
    %get3A_0 = arith.constant 0 : index
    %get3A_1 = vector.load %arg1[%get3A, %get3A_0] : memref<16x128xf32, #tpu.memory_space<vmem>>, vector<16x128xf32>
    %get3A_2 = arith.constant 0 : index
    %get3A_3 = arith.constant 0 : index
    %get3A_4 = vector.load %arg0[%get3A_2, %get3A_3] : memref<16x1xi32, #tpu.memory_space<vmem>>, vector<16x1xi32>
    %iota3A = tpu.iota {dimensions = array<i32: 1>} : vector<16x16xi32>
    %eq3A = vector.broadcast %get3A_4 : vector<16x1xi32> to vector<16x16xi32>
    %eq3A_5 = arith.cmpi eq, %eq3A, %iota3A : vector<16x16xi32>
    %convert_element_type3A = arith.extui %eq3A_5 : vector<16x16xi1> to vector<16x16xi32>
    %convert_element_type3A_6 = arith.sitofp %convert_element_type3A : vector<16x16xi32> to vector<16x16xf32>
    %dot_general3A = arith.constant dense<0.000000e+00> : vector<16x128xf32>
    %dot_general3A_7 = tpu.matmul %convert_element_type3A_6, %get3A_1, %dot_general3A {dimension_numbers = #tpu.dot_dimension_numbers<[1], [0], [0], [1], [0, 0, 1, 1], [], []>, precision = #tpu.contract_precision<fp32>, transpose_lhs_hint = false} : vector<16x16xf32>, vector<16x128xf32>, vector<16x128xf32> -> vector<16x128xf32>
    %iota3A_8 = tpu.iota {dimensions = array<i32: 0>} : vector<128x128xi32>
    %iota3A_9 = tpu.iota {dimensions = array<i32: 1>} : vector<128x128xi32>
    %add3A = arith.addi %iota3A_8, %iota3A_9 : vector<128x128xi32>
    %eq3A_10 = arith.constant 127 : i32
    %eq3A_11 = vector.broadcast %eq3A_10 : i32 to vector<128x128xi32>
    %eq3A_12 = arith.cmpi eq, %add3A, %eq3A_11 : vector<128x128xi32>
    %convert_element_type3A_13 = arith.extui %eq3A_12 : vector<128x128xi1> to vector<128x128xi32>
    %convert_element_type3A_14 = arith.sitofp %convert_element_type3A_13 : vector<128x128xi32> to vector<128x128xf32>
    %dot_general3A_15 = arith.constant dense<0.000000e+00> : vector<16x128xf32>
    %dot_general3A_16 = tpu.matmul %dot_general3A_7, %convert_element_type3A_14, %dot_general3A_15 {dimension_numbers = #tpu.dot_dimension_numbers<[1], [0], [0], [1], [0, 0, 1, 1], [], []>, precision = #tpu.contract_precision<fp32>, transpose_lhs_hint = false} : vector<16x128xf32>, vector<128x128xf32>, vector<16x128xf32> -> vector<16x128xf32>
    %broadcast_in_dim3A = vector.shape_cast %get3A_1 : vector<16x128xf32> to vector<1x16x128xf32>
    %broadcast_in_dim3A_17 = vector.broadcast %broadcast_in_dim3A : vector<1x16x128xf32> to vector<32x16x128xf32>
    %swap3A = arith.constant 0 : index
    %swap3A_18 = arith.constant 0 : index
    %swap3A_19 = arith.constant 0 : index
    %swap3A_20 = vector.load %arg2[%swap3A, %swap3A_18, %swap3A_19] : memref<32x16x256xf32, #tpu.memory_space<vmem>>, vector<32x16x128xf32>
    tpu.vector_store %arg2[%swap3A, %swap3A_18, %swap3A_19], %broadcast_in_dim3A_17 {strides = array<i32>} : memref<32x16x256xf32, #tpu.memory_space<vmem>>, vector<32x16x128xf32>,
    %broadcast_in_dim3A_21 = vector.shape_cast %dot_general3A_16 : vector<16x128xf32> to vector<1x16x128xf32>
    %broadcast_in_dim3A_22 = vector.broadcast %broadcast_in_dim3A_21 : vector<1x16x128xf32> to vector<32x16x128xf32>
    %swap3A_23 = arith.constant 0 : index
    %swap3A_24 = arith.constant 0 : index
    %swap3A_25 = arith.constant 128 : index
    %swap3A_26 = vector.load %arg2[%swap3A_23, %swap3A_24, %swap3A_25] : memref<32x16x256xf32, #tpu.memory_space<vmem>>, vector<32x16x128xf32>
    tpu.vector_store %arg2[%swap3A_23, %swap3A_24, %swap3A_25], %broadcast_in_dim3A_22 {strides = array<i32>} : memref<32x16x256xf32, #tpu.memory_space<vmem>>, vector<32x16x128xf32>,
    return
  }
}

</mosaic_0001>

<sc_bundles>
// kernel: kernel.4.cloned.1.call-start
scs
__scs_entry_jumppad:
0x0: {  	(pc) =	sbr.rel $0x88, $3  }
0x1: {  	(tag) =	ssettag $0x0;
	lr =	simm.s32 $0x1  }
0x2: {  	[smem:$0x3F9E] =	sst lr;
	_ =	strace $0xD0000000  }
0x3: {  	_ = 	snop  }
0x4: {  	_ = 	snop  }
0x5: {  	_ = 	snop  }
0x6: {  	_ = 	snop  }
0x7: {  	_ = 	snop  }
__scs_overlays_trampoline_lowered:
0x8: {  	[smem:$0x3FAD] =	sst s0  }
0x9: {  	[smem:$0x3FAE] =	sst s1  }
0xa: {  	[smem:$0x3FAF] =	sst s2  }
0xb: {  	[smem:$0x3FB0] =	sst s3  }
0xc: {  	[smem:$0x3FB1] =	sst s4  }
0xd: {  	[smem:$0x3FB2] =	sst s5  }
0xe: {  	[smem:$0x3FB3] =	sst s6  }
0xf: {  	[smem:$0x3FB4] =	sst s7  }
0x10: {  	[smem:$0x3FB5] =	sst s8  }
0x11: {  	[smem:$0x3FB6] =	sst s9;
	s0 =	simm.s32 @!p0 $0x0  }
0x12: {  	s1 =	sld [smem:$0x3F9C];
	s0 =	simm.s32 @p0 $0x1  }
0x13: {  	[smem:$0x3FB7] =	sst s0;
	s0 =	simm.s32 @!p1 $0x0  }
0x14: {  	s2 =	sld [smem:$0x3F9B];
	s0 =	simm.s32 @p1 $0x1  }
0x15: {  	[smem:$0x3FB8] =	sst s0;
	s0 =	simm.s32 @!p2 $0x0  }
0x16: {  	s3 =	sld [smem:$0x3FDB];
	s0 =	simm.s32 @p2 $0x1  }
0x17: {  	s4 =	simm.s32 $0x1BF5;
	[smem:$0x3FBA] =	sst s0  }
0x18: {  	s0 =	sld [smem:$0x3F9D];
	_ =	swait.ge [sflag:s4], $0x0  }
0x19: {  	s7 =	sld [smem:$0x3F9E]  }
0x1a: {  	s8 =	sadd.s32 $0xFFFFE003, lr  }
0x1b: {  	s9 =	sadd.s32 $0xFFFFFEF7, lr;
	s5 =	simm.s32 $0xFFFFFFFF;
	p2 =	slt.u32 s8, $0xFFFFF086  }
0x1c: {  	p1 =	slt.u32 s9, $0xF7A;
	s5 =	simm.s32 @!p2 $0x0  }
0x1d: {  	s5 =	simm.s32 @p1 $0x1;
	p0 =	seq.s32 s7, s2  }
0x1e: {  	s7 =	smul.u32 @!p0 $0xF7A, s2;
	p2 =	seq.s32 @!p0 s5, $0x0  }
0x1f: {  	s9 =	smul.u32 $0xF7A, s1;
	s8 =	simm.s32 @!p0 $0x1BF5;
	p2 =	por !p2, p0  }
0x20: {  	[sflag:s8] =	ssyncset.s32 @!p0 $0xFFFFF086;
	s6 =	sadd.s32 @!p0 s3, s7;
	s7 =	simm.s32 @!p0 $0x108  }
0x21: {  	s3 =	sadd.s32 s3, s9;
	s6 =	sadd.s32 @!p0 $0x88, s6;
	s7 =	simm.s32 @p2 $0x1082  }
0x22: {  	[simem:s7], [sflag:s8] =	dma.local @!p0 [hbm:s6], $0xF7A  }
0x23: {  	s9 =	sor.u32 $0xD0000000, s2;
	s6 =	simm.s32 $0x108;
	_ =	swait.ge @!p0 [sflag:s8], $0x0  }
0x24: {  	s3 =	sadd.s32 $0x88, s3;
	s6 =	simm.s32 @!p1 $0x1082;
	[sflag:s4] =	ssyncset.s32 $0xFFFFF086  }
0x25: {  	[simem:s6], [sflag:s4] =	dma.local [hbm:s3], $0xF7A  }
0x26: {  	[smem:$0x3F9E] =	sst s1;
	(tag) =	ssettag s2;
	_ =	strace s9  }
0x27: {  	s1 =	sld [smem:$0x3FAE]  }
0x28: {  	s2 =	sld [smem:$0x3FAF]  }
0x29: {  	s4 =	sld [smem:$0x3FB1]  }
0x2a: {  	p0 =	seq.s32 s5, $0x0;
	s5 =	sld [smem:$0x3FB2]  }
0x2b: {  	s6 =	sld [smem:$0x3FB3]  }
0x2c: {  	s7 =	sld [smem:$0x3FB4]  }
0x2d: {  	s3 =	simm.s32 $0x108;
	s8 =	sld [smem:$0x3FB5]  }
0x2e: {  	s3 =	simm.s32 @!p0 $0x1082;
	s9 =	sld [smem:$0x3FB6]  }
0x2f: {  	lr =	sadd.s32 s0, s3;
	s0 =	sld [smem:$0x3FAD]  }
0x30: {  	s3 =	sld [smem:$0x3FB0]  }
0x31: {  	[smem:$0x3FB9] =	sst s10  }
0x32: {  	s10 =	sld [smem:$0x3FB7];
	_ =	sdelay $0x3  }
0x33: {  	p0 =	seq.s32 s10, $0x1;
	s10 =	sld [smem:$0x3FB9];
	_ =	sdelay $0x3  }
0x34: {  	[smem:$0x3FB9] =	sst s10  }
0x35: {  	s10 =	sld [smem:$0x3FB8];
	_ =	sdelay $0x3  }
0x36: {  	p1 =	seq.s32 s10, $0x1;
	s10 =	sld [smem:$0x3FB9];
	_ =	sdelay $0x3  }
0x37: {  	[smem:$0x3FB9] =	sst s10  }
0x38: {  	s10 =	sld [smem:$0x3FBA]  }
0x39: {  	_ = 	snop;
	(pc) =	sbr.ind lr, $3  }
0x3a: {  	_ = 	snop  }
0x3b: {  	_ = 	snop  }
0x3c: {  	p2 =	seq.s32 s10, $0x1;
	s10 =	sld [smem:$0x3FB9]  }
0x3d: {  	_ =	shalt  }
0x3e: {  	_ =	shalt  }
0x3f: {  	_ =	shalt  }
0x40: {  	_ =	shalt  }
0x41: {  	_ =	shalt  }
0x42: {  	_ =	shalt  }
0x43: {  	_ =	shalt  }
0x44: {  	_ =	shalt  }
0x45: {  	_ =	shalt  }
0x46: {  	_ =	shalt  }
0x47: {  	_ =	shalt  }
0x48: {  	_ =	shalt  }
0x49: {  	_ =	shalt  }
0x4a: {  	_ =	shalt  }
0x4b: {  	_ =	shalt  }
0x4c: {  	_ =	shalt  }
0x4d: {  	_ =	shalt  }
0x4e: {  	_ =	shalt  }
0x4f: {  	_ =	shalt  }
0x50: {  	_ =	shalt  }
0x51: {  	_ =	shalt  }
0x52: {  	_ =	shalt  }
0x53: {  	_ =	shalt  }
0x54: {  	_ =	shalt  }
0x55: {  	_ =	shalt  }
0x56: {  	_ =	shalt  }
0x57: {  	_ =	shalt  }
0x58: {  	_ =	shalt  }
0x59: {  	_ =	shalt  }
0x5a: {  	_ =	shalt  }
0x5b: {  	_ =	shalt  }
0x5c: {  	_ =	shalt  }
0x5d: {  	_ =	shalt  }
0x5e: {  	_ =	shalt  }
0x5f: {  	_ =	shalt  }
0x60: {  	_ =	shalt  }
0x61: {  	_ =	shalt  }
0x62: {  	_ =	shalt  }
0x63: {  	_ =	shalt  }
0x64: {  	_ =	shalt  }
0x65: {  	_ =	shalt  }
0x66: {  	_ =	shalt  }
0x67: {  	_ =	shalt  }
0x68: {  	_ =	shalt  }
0x69: {  	_ =	shalt  }
0x6a: {  	_ =	shalt  }
0x6b: {  	_ =	shalt  }
0x6c: {  	_ =	shalt  }
0x6d: {  	_ =	shalt  }
0x6e: {  	_ =	shalt  }
0x6f: {  	_ =	shalt  }
0x70: {  	_ =	shalt  }
0x71: {  	_ =	shalt  }
0x72: {  	_ =	shalt  }
0x73: {  	_ =	shalt  }
0x74: {  	_ =	shalt  }
0x75: {  	_ =	shalt  }
0x76: {  	_ =	shalt  }
0x77: {  	_ =	shalt  }
0x78: {  	_ =	shalt  }
0x79: {  	_ =	shalt  }
0x7a: {  	_ =	shalt  }
0x7b: {  	_ =	shalt  }
0x7c: {  	_ =	shalt  }
0x7d: {  	_ =	shalt  }
0x7e: {  	_ =	shalt  }
0x7f: {  	_ =	shalt  }
0x80: {  	_ =	shalt  }
0x81: {  	_ =	shalt  }
0x82: {  	_ =	shalt  }
0x83: {  	_ =	shalt  }
0x84: {  	_ =	shalt  }
0x85: {  	_ =	shalt  }
0x86: {  	_ =	shalt  }
0x87: {  	_ =	shalt  }
.Lfunc_end0:
.L_simem_size_0:
called_computation_lowered:
.L_overlay_start_0:
0x88: {  	s2 =	sld [smem:$0x3FD9]  }
0x89: {  	s3 =	sld [smem:$0x3FFE];
	_ =	sdelay $0x1  }
0x8a: {  	s1 =	srdreg.scid  }
0x8b: {  	s0 =	sand.u32 $0x1, s1  }
0x8c: {  	s17 =	sshll.u32 s0, $0xA;
	s2 =	sadd.s32 s3, s2  }
0x8d: {  	s2 =	sadd.s32 s2, s17  }
0x8e: {  	[smem:$0x3FC5] =	sst s2  }
0x8f: {  	_ = 	snop  }
0x90: {  	s2 =	sld [smem:$0x3FD0];
	(tm) =	ssettm $0x1  }
0x91: {  	s18 =	sld [smem:$0x3FFB];
	_ =	sdelay $0x3  }
0x92: {  	_ =	strace s18  }
0x93: {  	s3 =	sld [smem:$0x3FFC];
	_ =	sdelay $0x3  }
0x94: {  	_ =	strace s3  }
0x95: {  	s3 =	sld [smem:$0x3FFD];
	_ =	sdelay $0x3  }
0x96: {  	_ =	strace s3  }
0x97: {  	_ =	strace $0x8FFFFFFF  }
0x98: {  	s19 =	sld [smem:$0x3FDB];
	_ =	sdelay $0x1  }
0x99: {  	s4 =	simm.s32 $_scs_section_size  }
0x9a: {  	s5 =	simm.s32 $_size__tile_overlayer_lowered;
	s6 =	simm.s32 $_tile_overlayer_lowered  }
0x9b: {  	s22 =	simm.s32 $0x1BFF;
	s21 =	sshll.u32 s6, $0x1;
	s3 =	sadd.s32 s4, s19  }
0x9c: {  	s7 =	simm.s32 $0x0;
	s20 =	sshll.u32 s5, $0x1;
	s5 =	sadd.s32 s21, s3  }
0x9d: {  	[timem:s7], [sflag:s22] =	dma.local [hbm:s5], s20  }
0x9e: {  	_ =	swait.ge [sflag:s22], s20  }
0x9f: {  	s4 =	ssub.s32 $0x0, s20;
	[sflag:s22] =	ssyncset.done $0x0  }
0xa0: {  	[sflag:s22] =	ssyncadd.s32 s4;
	_ =	sdelay $0x1  }
0xa1: {  	s23 =	simm.s32 $0x1B8B  }
0xa2: {  	_ =	swait.ge [sflag:s23], $0x1  }
0xa3: {  	[sflag:s23] =	ssyncset.done $0x0  }
0xa4: {  	s25 =	simm.s32 $0x1B8E;
	s24 =	sld [smem:$0x3FFE];
	[sflag:s23] =	ssyncadd.s32 $0xFFFFFFFF  }
0xa5: {  	s26 =	simm.s32 $execute0_lowered;
	[smem:$0x3FD2] =	sst s25  }
0xa6: {  	s5 =	sshll.u32 s26, $0x1;
	_ =	strace $0x80000046;
	[dreg:$0x1] =	wrdreg $0xFFFFFFFF  }
0xa7: {  	s28 =	simm.s32 $_size_execute0_lowered;
	s3 =	sadd.s32 s3, s5;
	[dreg:$0x0] =	wrdreg $0x0  }
0xa8: {  	s5 =	sshll.u32 s28, $0x1;
	[dreg:$0x2] =	wrdreg s3  }
0xa9: {  	[dreg:$0x3] =	wrdreg s5  }
0xaa: {  	[dreg:$0x4] =	wrdreg $0xC0  }
0xab: {  	_ =	task [dreg:s7], $0x5FFFF  }
0xac: {  	[dreg:$0x1] =	wrdreg $0xFFFFFFFF  }
0xad: {  	[dreg:$0x0] =	wrdreg $0x60  }
0xae: {  	[dreg:$0x2] =	wrdreg s24  }
0xaf: {  	[dreg:$0x3] =	wrdreg s2  }
0xb0: {  	[dreg:$0x4] =	wrdreg $0x9  }
0xb1: {  	_ =	task.clear_ibuf [dreg:s7], $0x5FFFF;
	_ =	strace $0x90000046  }
0xb2: {  	s29 =	simm.s32 $0x9;
	_ =	strace $0x80000048  }
0xb3: {  	_ =	swait.ge [sflag:s29], $0x1  }
0xb4: {  	[sflag:s29] =	ssyncadd.s32 $0xFFFFFFFF  }
0xb5: {  	_ =	strace $0x90000048  }
0xb6: {  	_ =	sfence  }
0xb7: {  	s30 =	sld [smem:$0x0];
	_ =	sdelay $0x2  }
0xb8: {  	s31 =	sshll.u32 s1, $0xD;
	s1 =	sshrl.u32 s1, $0x2  }
0xb9: {  	s3 =	sand.u32 $0x4000, s31;
	s1 =	sadd.s32 s1, s30  }
0xba: {  	s0 =	sor.u32 s3, s0;
	s1 =	sshll.u32 s1, $0x11  }
0xbb: {  	s0 =	sor.u32 s1, s0  }
0xbc: {  	s0 =	sadd.s32 $0x8F2B, s0  }
0xbd: {  	[sflag:s0] =	ssyncadd.remote.s32 $0x1  }
0xbe: {  	_ =	sfence.sel $0xFFFF  }
0xbf: {  	[dreg:$0x0] =	wrdreg $0xFFFFFFFF;
	(pc) =	sbr.abs _section_cstart, $3  }
0xc0: {  	[dreg:$0x1] =	wrdreg $0xFFFFFFFF  }
0xc1: {  	_ =	task.clear_ibuf [dreg:s7], $0x2FFFF;
	_ =	strace $0x9FFFFFFF  }
0xc2: {  	(tm) =	ssettm $0x7FFFFFFF  }
0xc3: {  	_ =	shalt  }
tec
execute0_lowered:
.L_overlay_start_1:
0x0: {  	(tag) =	ssettag $0x1  }
0x1: {  	s0 =	srdreg.scid  }
0x2: {  	s2 =	stileid.u32;
	s1 =	rddreg [dreg:$0x0]  }
0x3: {  	s3 =	rddreg [dreg:$0x1];
	s28 =	simm.s32 $0x1;
	s15 =	simm.s32 $0x4  }
0x4: {  	s17 =	simm.s32 $0x5;
	s29 =	simm.s32 $0x4400;
	s30 =	simm.s32 $0x4C00  }
0x5: {  	s31 =	simm.s32 $0x5400;
	s16 =	simm.s32 $0x8400;
	s7 =	simm.s32 $0x12400  }
0x6: {  	s8 =	simm.s32 $0x12C00;
	s9 =	simm.s32 $0x13400;
	s10 =	simm.s32 $0x13C00  }
0x7: {  	s11 =	simm.s32 $0x14400;
	s12 =	simm.s32 $0x14C00;
	s13 =	simm.s32 $0x15400  }
0x8: {  	s18 =	simm.s32 $0x15C00;
	s0 =	sand.u32 $0x1, s0;
	s2 =	sshll.u32 s2, $0x1  }
0x9: {  	s5 =	sor.u32 s0, s2;
	s2 =	simm.s32 $0x0;
	s0 =	ssub.s32 $0x2, s0  }
0xa: {  	s4 =	sshll.u32 s5, $0x7;
	[smem:$0x7FF] =	sst s2;
	s6 =	sshll.u32 s5, $0xF  }
0xb: {  	s23 =	sshrl.u32 s0, $0x1;
	s4 =	sadd.s32 s4, s1;
	s6 =	sadd.s32 s3, s6  }
0xc: {  	_ =	strace $0x80000047;
	s4 =	sadd.s32 $0x800, s4;
	[dreg:$0xb] =	wrdreg s6  }
0xd: {  	s14 =	sshll.u32 s5, $0x4;
	s3 =	sadd.s32 $0x1000, s6;
	[dreg:$0x3] =	wrdreg s4  }
0xe: {  	s0 =	ssub.s32 s0, s23;
	s20 =	sadd.s32 $0x2000, s6;
	[dreg:$0x4] =	wrdreg s3  }
0xf: {  	v0 =	vmov s14;
	s14 =	simm.s32 $0x2;
	s21 =	sadd.s32 $0x3000, s6;
	[dreg:$0x5] =	wrdreg s20  }
0x10: {  	s23 =	simm.s32 $0x400;
	s22 =	sadd.s32 $0x4000, s6;
	[dreg:$0x6] =	wrdreg s21  }
0x11: {  	s24 =	sadd.s32 $0x5000, s6;
	s25 =	sadd.s32 $0x6000, s6;
	[dreg:$0x7] =	wrdreg s22  }
0x12: {  	s26 =	sadd.s32 $0x7000, s6;
	s5 =	smax.u32 s0, $0x1;
	[dreg:$0x8] =	wrdreg s24  }
0x13: {  	v3 =	vlaneseq.u32;
	s6 =	simm.s32 $0x11C00;
	s4 =	sadd.s32 $0x1800, s1;
	[dreg:$0x9] =	wrdreg s25  }
0x14: {  	vm0 =	vmmov $0xffff;
	v2 =	vshrl.u32 v3, $0x3;
	[dreg:$0xa] =	wrdreg s26;
	s3 =	simm.s32 $0x11400;
	s20 =	simm.s32 $0x16400  }
0x15: {  	v1 =	vand.u32 $0x7, v3;
	v3 =	vor.u32 $0x8, v3;
	v2 =	vmul.u32 $0x8, v2;
	s21 =	simm.s32 $0x16C00;
	s22 =	simm.s32 $0x17400;
	s24 =	simm.s32 $0x17C00  }
.LBB2_1:
0x16: {  	s19 =	rddreg [dreg:$0x3];
	s1 =	simm.s32 $0x7  }
0x17: {  	[tilespmem:s2], [sflag:$0x7] =	stream.linear.gather [hbm4b:s19+s2], $0x400, $0x38;
	[tilespmem:$0x18400] =	vst v63  }
0x18: {  	_ =	swait.ge [sflag:s1], $0x400  }
0x19: {  	[sflag:s1] =	ssyncset.done $0x0  }
0x1a: {  	[sflag:s1] =	ssyncadd.s32 $0xFFFFFC00  }
0x1b: {  	v4 =	vld [tilespmem:$0x0]  }
0x1c: {  	v6 =	vld [tilespmem:$0x10]  }
0x1d: {  	v7 =	vld [tilespmem:$0x20]  }
0x1e: {  	v8 =	vld [tilespmem:$0x30]  }
0x1f: {  	v9 =	vld [tilespmem:$0x40]  }
0x20: {  	v10 =	vld [tilespmem:$0x50];
	v5 =	vadd.s32 v0, v4  }
0x21: {  	v11 =	vld [tilespmem:$0x60];
	v6 =	vadd.s32 v0, v6;
	[tilespmem:$0x0] =	vst v5  }
0x22: {  	v55 =	vld [tilespmem:$0x70];
	v54 =	vadd.s32 v0, v7;
	[tilespmem:$0x10] =	vst v6  }
0x23: {  	v57 =	vld [tilespmem:$0x80];
	v56 =	vadd.s32 v0, v8;
	[tilespmem:$0x20] =	vst v54  }
0x24: {  	v59 =	vld [tilespmem:$0x90];
	v58 =	vadd.s32 v0, v9;
	[tilespmem:$0x30] =	vst v56  }
0x25: {  	v61 =	vld [tilespmem:$0xA0];
	v60 =	vadd.s32 v0, v10;
	[tilespmem:$0x40] =	vst v58  }
0x26: {  	v63 =	vld [tilespmem:$0xB0];
	v62 =	vadd.s32 v0, v11;
	[tilespmem:$0x50] =	vst v60  }
0x27: {  	v13 =	vld [tilespmem:$0xC0];
	v12 =	vadd.s32 v0, v55;
	[tilespmem:$0x60] =	vst v62  }
0x28: {  	v15 =	vld [tilespmem:$0xD0];
	v14 =	vadd.s32 v0, v57;
	[tilespmem:$0x70] =	vst v12  }
0x29: {  	v17 =	vld [tilespmem:$0xE0];
	v16 =	vadd.s32 v0, v59;
	[tilespmem:$0x80] =	vst v14  }
0x2a: {  	v19 =	vld [tilespmem:$0xF0];
	v18 =	vadd.s32 v0, v61;
	[tilespmem:$0x90] =	vst v16  }
0x2b: {  	v21 =	vld [tilespmem:$0x100];
	v20 =	vadd.s32 v0, v63;
	[tilespmem:$0xA0] =	vst v18  }
0x2c: {  	v23 =	vld [tilespmem:$0x110];
	v22 =	vadd.s32 v0, v13;
	[tilespmem:$0xB0] =	vst v20  }
0x2d: {  	v25 =	vld [tilespmem:$0x120];
	v24 =	vadd.s32 v0, v15;
	[tilespmem:$0xC0] =	vst v22  }
0x2e: {  	v27 =	vld [tilespmem:$0x130];
	v26 =	vadd.s32 v0, v17;
	[tilespmem:$0xD0] =	vst v24  }
0x2f: {  	v29 =	vld [tilespmem:$0x140];
	v28 =	vadd.s32 v0, v19;
	[tilespmem:$0xE0] =	vst v26  }
0x30: {  	v31 =	vld [tilespmem:$0x150];
	v30 =	vadd.s32 v0, v21;
	[tilespmem:$0xF0] =	vst v28  }
0x31: {  	v33 =	vld [tilespmem:$0x160];
	v32 =	vadd.s32 v0, v23;
	[tilespmem:$0x100] =	vst v30  }
0x32: {  	v35 =	vld [tilespmem:$0x170];
	v34 =	vadd.s32 v0, v25;
	[tilespmem:$0x110] =	vst v32  }
0x33: {  	v37 =	vld [tilespmem:$0x180];
	v36 =	vadd.s32 v0, v27;
	[tilespmem:$0x120] =	vst v34  }
0x34: {  	v39 =	vld [tilespmem:$0x190];
	v38 =	vadd.s32 v0, v29;
	[tilespmem:$0x130] =	vst v36  }
0x35: {  	v41 =	vld [tilespmem:$0x1A0];
	v40 =	vadd.s32 v0, v31;
	[tilespmem:$0x140] =	vst v38  }
0x36: {  	v43 =	vld [tilespmem:$0x1B0];
	v42 =	vadd.s32 v0, v33;
	[tilespmem:$0x150] =	vst v40  }
0x37: {  	v45 =	vld [tilespmem:$0x1C0];
	v44 =	vadd.s32 v0, v35;
	[tilespmem:$0x160] =	vst v42  }
0x38: {  	v47 =	vld [tilespmem:$0x1D0];
	v46 =	vadd.s32 v0, v37;
	[tilespmem:$0x170] =	vst v44  }
0x39: {  	v49 =	vld [tilespmem:$0x1E0];
	v48 =	vadd.s32 v0, v39;
	[tilespmem:$0x180] =	vst v46  }
0x3a: {  	v51 =	vld [tilespmem:$0x1F0];
	v50 =	vadd.s32 v0, v41;
	[tilespmem:$0x190] =	vst v48  }
0x3b: {  	v53 =	vld [tilespmem:$0x200];
	v52 =	vadd.s32 v0, v43;
	[tilespmem:$0x1A0] =	vst v50  }
0x3c: {  	v55 =	vld [tilespmem:$0x210];
	[tilespmem:$0x1B0] =	vst v52;
	v54 =	vadd.s32 v0, v45  }
0x3d: {  	v57 =	vld [tilespmem:$0x220];
	v56 =	vadd.s32 v0, v47;
	[tilespmem:$0x1C0] =	vst v54  }
0x3e: {  	v59 =	vld [tilespmem:$0x230];
	v58 =	vadd.s32 v0, v49;
	[tilespmem:$0x1D0] =	vst v56  }
0x3f: {  	v61 =	vld [tilespmem:$0x240];
	v60 =	vadd.s32 v0, v51;
	[tilespmem:$0x1E0] =	vst v58  }
0x40: {  	v63 =	vld [tilespmem:$0x250];
	v62 =	vadd.s32 v0, v53;
	[tilespmem:$0x1F0] =	vst v60  }
0x41: {  	v13 =	vld [tilespmem:$0x260];
	[tilespmem:$0x200] =	vst v62;
	v12 =	vadd.s32 v0, v55  }
0x42: {  	v15 =	vld [tilespmem:$0x270];
	v14 =	vadd.s32 v0, v57;
	[tilespmem:$0x210] =	vst v12  }
0x43: {  	v17 =	vld [tilespmem:$0x280];
	v16 =	vadd.s32 v0, v59;
	[tilespmem:$0x220] =	vst v14  }
0x44: {  	v19 =	vld [tilespmem:$0x290];
	v18 =	vadd.s32 v0, v61;
	[tilespmem:$0x230] =	vst v16  }
0x45: {  	v21 =	vld [tilespmem:$0x2A0];
	v20 =	vadd.s32 v0, v63;
	[tilespmem:$0x240] =	vst v18  }
0x46: {  	v23 =	vld [tilespmem:$0x2B0];
	v22 =	vadd.s32 v0, v13;
	[tilespmem:$0x250] =	vst v20  }
0x47: {  	v25 =	vld [tilespmem:$0x2C0];
	v24 =	vadd.s32 v0, v15;
	[tilespmem:$0x260] =	vst v22  }
0x48: {  	v27 =	vld [tilespmem:$0x2D0];
	v26 =	vadd.s32 v0, v17;
	[tilespmem:$0x270] =	vst v24  }
0x49: {  	v29 =	vld [tilespmem:$0x2E0];
	v28 =	vadd.s32 v0, v19;
	[tilespmem:$0x280] =	vst v26  }
0x4a: {  	v31 =	vld [tilespmem:$0x2F0];
	v30 =	vadd.s32 v0, v21;
	[tilespmem:$0x290] =	vst v28  }
0x4b: {  	v33 =	vld [tilespmem:$0x300];
	v32 =	vadd.s32 v0, v23;
	[tilespmem:$0x2A0] =	vst v30  }
0x4c: {  	v35 =	vld [tilespmem:$0x310];
	v34 =	vadd.s32 v0, v25;
	[tilespmem:$0x2B0] =	vst v32  }
0x4d: {  	v37 =	vld [tilespmem:$0x320];
	v36 =	vadd.s32 v0, v27;
	[tilespmem:$0x2C0] =	vst v34  }
0x4e: {  	v39 =	vld [tilespmem:$0x330];
	v38 =	vadd.s32 v0, v29;
	[tilespmem:$0x2D0] =	vst v36  }
0x4f: {  	v41 =	vld [tilespmem:$0x340];
	v40 =	vadd.s32 v0, v31;
	[tilespmem:$0x2E0] =	vst v38  }
0x50: {  	v43 =	vld [tilespmem:$0x350];
	v42 =	vadd.s32 v0, v33;
	[tilespmem:$0x2F0] =	vst v40  }
0x51: {  	v45 =	vld [tilespmem:$0x360];
	v44 =	vadd.s32 v0, v35;
	[tilespmem:$0x300] =	vst v42  }
0x52: {  	v47 =	vld [tilespmem:$0x370];
	v46 =	vadd.s32 v0, v37;
	[tilespmem:$0x310] =	vst v44  }
0x53: {  	v49 =	vld [tilespmem:$0x380];
	v48 =	vadd.s32 v0, v39;
	[tilespmem:$0x320] =	vst v46  }
0x54: {  	v51 =	vld [tilespmem:$0x390];
	v50 =	vadd.s32 v0, v41;
	[tilespmem:$0x330] =	vst v48  }
0x55: {  	v53 =	vld [tilespmem:$0x3A0];
	v52 =	vadd.s32 v0, v43;
	[tilespmem:$0x340] =	vst v50  }
0x56: {  	v55 =	vld [tilespmem:$0x3B0];
	[tilespmem:$0x350] =	vst v52;
	v54 =	vadd.s32 v0, v45  }
0x57: {  	v5 =	vshll.u32 v5, $0x1;
	v57 =	vld [tilespmem:$0x3C0];
	v56 =	vadd.s32 v0, v47;
	[tilespmem:$0x360] =	vst v54  }
0x58: {  	v4 =	vand.u32 $0x7, v4;
	v5 =	vand.u32 $0xFFFFFFF0, v5;
	v59 =	vld [tilespmem:$0x3D0];
	v58 =	vadd.s32 v0, v49;
	[tilespmem:$0x370] =	vst v56  }
0x59: {  	v4 =	vor.u32 v4, v5;
	v61 =	vld [tilespmem:$0x3E0];
	v60 =	vadd.s32 v0, v51;
	[tilespmem:$0x380] =	vst v58  }
0x5a: {  	v62 =	vld [tilespmem:$0x3F0];
	v63 =	vperm.xlane v4, v1;
	v5 =	vadd.s32 v0, v53;
	[tilespmem:$0x390] =	vst v60  }
0x5b: {  	[tilespmem:$0x3A0] =	vst v5;
	v5 =	vadd.s32 v0, v55  }
0x5c: {  	v4 =	vperm.xlane v4, v3;
	v8 =	vadd.s32 v2, v63;
	[tilespmem:$0x3B0] =	vst v5;
	v5 =	vadd.s32 v0, v57  }
0x5d: {  	[tilespmem:$0x3C0] =	vst v5;
	v5 =	vadd.s32 v0, v59  }
0x5e: {  	v4 =	vadd.s32 v2, v4;
	[tilespmem:$0x3D0] =	vst v5;
	v5 =	vadd.s32 v0, v61  }
0x5f: {  	[tilespmem:$0x3E0] =	vst v5;
	v5 =	vadd.s32 v0, v62  }
0x60: {  	[tilespmem:$0x3F0] =	vst v5  }
0x61: {  	[tilespmem:s23], [sflag:$0x1] =	stream.indirect_vreg.gather [hbm4b:s4+s2], $0x80, v8, vm0, $0xb8;
	[tilespmem:$0x18400] =	vst v63  }
0x62: {  	s0 =	simm.s32 $0xC00  }
0x63: {  	[tilespmem:s0], [sflag:$0x1] =	stream.indirect_vreg.gather [hbm4b:s4+s2], $0x80, v4, vm0, $0xb8;
	[tilespmem:$0x18400] =	vst v63  }
0x64: {  	v4 =	vld [tilespmem:$0x10];
	_ =	sdelay $0x4  }
0x65: {  	v5 =	vshll.u32 v4, $0x1  }
0x66: {  	v4 =	vand.u32 $0x7, v4;
	v5 =	vand.u32 $0xFFFFFFF0, v5  }
0x67: {  	v4 =	vor.u32 v4, v5  }
0x68: {  	v5 =	vperm.xlane v4, v1;
	_ =	sdelay $0x1  }
0x69: {  	v4 =	vperm.xlane v4, v3;
	v5 =	vadd.s32 v2, v5;
	_ =	sdelay $0x1  }
0x6a: {  	v4 =	vadd.s32 v2, v4;
	_ =	sdelay $0x1  }
0x6b: {  	s19 =	simm.s32 $0x1400  }
0x6c: {  	[tilespmem:s19], [sflag:$0x1] =	stream.indirect_vreg.gather [hbm4b:s4+s2], $0x80, v5, vm0, $0xb8;
	[tilespmem:$0x18400] =	vst v63  }
0x6d: {  	s26 =	simm.s32 $0x1C00  }
0x6e: {  	[tilespmem:s26], [sflag:$0x1] =	stream.indirect_vreg.gather [hbm4b:s4+s2], $0x80, v4, vm0, $0xb8;
	[tilespmem:$0x18400] =	vst v63  }
0x6f: {  	v4 =	vld [tilespmem:$0x20];
	_ =	sdelay $0x4  }
0x70: {  	v5 =	vshll.u32 v4, $0x1  }
0x71: {  	v4 =	vand.u32 $0x7, v4;
	v5 =	vand.u32 $0xFFFFFFF0, v5  }
0x72: {  	v4 =	vor.u32 v4, v5  }
0x73: {  	v5 =	vperm.xlane v4, v1;
	_ =	sdelay $0x1  }
0x74: {  	v4 =	vperm.xlane v4, v3;
	v5 =	vadd.s32 v2, v5;
	_ =	sdelay $0x1  }
0x75: {  	v4 =	vadd.s32 v2, v4;
	_ =	sdelay $0x1  }
0x76: {  	s1 =	simm.s32 $0x2400  }
0x77: {  	[tilespmem:s1], [sflag:$0x1] =	stream.indirect_vreg.gather [hbm4b:s4+s2], $0x80, v5, vm0, $0xb8;
	[tilespmem:$0x18400] =	vst v63  }
0x78: {  	s19 =	simm.s32 $0x2C00  }
0x79: {  	[tilespmem:s19], [sflag:$0x1] =	stream.indirect_vreg.gather [hbm4b:s4+s2], $0x80, v4, vm0, $0xb8;
	[tilespmem:$0x18400] =	vst v63  }
0x7a: {  	v4 =	vld [tilespmem:$0x30];
	_ =	sdelay $0x4  }
0x7b: {  	v5 =	vshll.u32 v4, $0x1  }
0x7c: {  	v4 =	vand.u32 $0x7, v4;
	v5 =	vand.u32 $0xFFFFFFF0, v5  }
0x7d: {  	v4 =	vor.u32 v4, v5  }
0x7e: {  	v5 =	vperm.xlane v4, v1;
	_ =	sdelay $0x1  }
0x7f: {  	v4 =	vperm.xlane v4, v3;
	v5 =	vadd.s32 v2, v5;
	_ =	sdelay $0x1  }
0x80: {  	v4 =	vadd.s32 v2, v4;
	_ =	sdelay $0x1  }
0x81: {  	s1 =	simm.s32 $0x3400  }
0x82: {  	[tilespmem:s1], [sflag:$0x1] =	stream.indirect_vreg.gather [hbm4b:s4+s2], $0x80, v5, vm0, $0xb8;
	[tilespmem:$0x18400] =	vst v63  }
0x83: {  	s19 =	simm.s32 $0x3C00  }
0x84: {  	[tilespmem:s19], [sflag:$0x1] =	stream.indirect_vreg.gather [hbm4b:s4+s2], $0x80, v4, vm0, $0xb8;
	[tilespmem:$0x18400] =	vst v63  }
0x85: {  	v4 =	vld [tilespmem:$0x40];
	_ =	sdelay $0x4  }
0x86: {  	v5 =	vshll.u32 v4, $0x1  }
0x87: {  	v4 =	vand.u32 $0x7, v4;
	v5 =	vand.u32 $0xFFFFFFF0, v5  }
0x88: {  	v4 =	vor.u32 v4, v5  }
0x89: {  	v5 =	vperm.xlane v4, v1;
	_ =	sdelay $0x1  }
0x8a: {  	v4 =	vperm.xlane v4, v3;
	v5 =	vadd.s32 v2, v5;
	_ =	sdelay $0x1  }
0x8b: {  	v4 =	vadd.s32 v2, v4;
	_ =	sdelay $0x2  }
0x8c: {  	[tilespmem:s29], [sflag:$0x1] =	stream.indirect_vreg.gather [hbm4b:s4+s2], $0x80, v5, vm0, $0xb8;
	[tilespmem:$0x18400] =	vst v63  }
0x8d: {  	_ = 	snop  }
0x8e: {  	[tilespmem:s30], [sflag:$0x1] =	stream.indirect_vreg.gather [hbm4b:s4+s2], $0x80, v4, vm0, $0xb8;
	[tilespmem:$0x18400] =	vst v63  }
0x8f: {  	v4 =	vld [tilespmem:$0x50];
	_ =	sdelay $0x4  }
0x90: {  	v5 =	vshll.u32 v4, $0x1  }
0x91: {  	v4 =	vand.u32 $0x7, v4;
	v5 =	vand.u32 $0xFFFFFFF0, v5  }
0x92: {  	v4 =	vor.u32 v4, v5  }
0x93: {  	v5 =	vperm.xlane v4, v1;
	_ =	sdelay $0x1  }
0x94: {  	v4 =	vperm.xlane v4, v3;
	v5 =	vadd.s32 v2, v5;
	_ =	sdelay $0x1  }
0x95: {  	v4 =	vadd.s32 v2, v4;
	_ =	sdelay $0x2  }
0x96: {  	[tilespmem:s31], [sflag:$0x1] =	stream.indirect_vreg.gather [hbm4b:s4+s2], $0x80, v5, vm0, $0xb8;
	[tilespmem:$0x18400] =	vst v63  }
0x97: {  	s1 =	simm.s32 $0x5C00  }
0x98: {  	[tilespmem:s1], [sflag:$0x1] =	stream.indirect_vreg.gather [hbm4b:s4+s2], $0x80, v4, vm0, $0xb8;
	[tilespmem:$0x18400] =	vst v63  }
0x99: {  	v4 =	vld [tilespmem:$0x60];
	_ =	sdelay $0x4  }
0x9a: {  	v5 =	vshll.u32 v4, $0x1  }
0x9b: {  	v4 =	vand.u32 $0x7, v4;
	v5 =	vand.u32 $0xFFFFFFF0, v5  }
0x9c: {  	v4 =	vor.u32 v4, v5  }
0x9d: {  	v5 =	vperm.xlane v4, v1;
	_ =	sdelay $0x1  }
0x9e: {  	v4 =	vperm.xlane v4, v3;
	v5 =	vadd.s32 v2, v5;
	_ =	sdelay $0x1  }
0x9f: {  	v4 =	vadd.s32 v2, v4;
	_ =	sdelay $0x1  }
0xa0: {  	s19 =	simm.s32 $0x6400  }
0xa1: {  	[tilespmem:s19], [sflag:$0x1] =	stream.indirect_vreg.gather [hbm4b:s4+s2], $0x80, v5, vm0, $0xb8;
	[tilespmem:$0x18400] =	vst v63  }
0xa2: {  	s1 =	simm.s32 $0x6C00  }
0xa3: {  	[tilespmem:s1], [sflag:$0x1] =	stream.indirect_vreg.gather [hbm4b:s4+s2], $0x80, v4, vm0, $0xb8;
	[tilespmem:$0x18400] =	vst v63  }
0xa4: {  	v4 =	vld [tilespmem:$0x70];
	_ =	sdelay $0x4  }
0xa5: {  	v5 =	vshll.u32 v4, $0x1  }
0xa6: {  	v4 =	vand.u32 $0x7, v4;
	v5 =	vand.u32 $0xFFFFFFF0, v5  }
0xa7: {  	v4 =	vor.u32 v4, v5  }
0xa8: {  	v5 =	vperm.xlane v4, v1;
	_ =	sdelay $0x1  }
0xa9: {  	v4 =	vperm.xlane v4, v3;
	v5 =	vadd.s32 v2, v5;
	_ =	sdelay $0x1  }
0xaa: {  	v4 =	vadd.s32 v2, v4;
	_ =	sdelay $0x1  }
0xab: {  	s19 =	simm.s32 $0x7400  }
0xac: {  	[tilespmem:s19], [sflag:$0x1] =	stream.indirect_vreg.gather [hbm4b:s4+s2], $0x80, v5, vm0, $0xb8;
	[tilespmem:$0x18400] =	vst v63  }
0xad: {  	s1 =	simm.s32 $0x7C00  }
0xae: {  	[tilespmem:s1], [sflag:$0x1] =	stream.indirect_vreg.gather [hbm4b:s4+s2], $0x80, v4, vm0, $0xb8;
	[tilespmem:$0x18400] =	vst v63  }
0xaf: {  	v4 =	vld [tilespmem:$0x80];
	_ =	sdelay $0x4  }
0xb0: {  	v5 =	vshll.u32 v4, $0x1  }
0xb1: {  	v4 =	vand.u32 $0x7, v4;
	v5 =	vand.u32 $0xFFFFFFF0, v5  }
0xb2: {  	v4 =	vor.u32 v4, v5  }
0xb3: {  	v5 =	vperm.xlane v4, v1;
	_ =	sdelay $0x1  }
0xb4: {  	v4 =	vperm.xlane v4, v3;
	v5 =	vadd.s32 v2, v5;
	_ =	sdelay $0x1  }
0xb5: {  	v4 =	vadd.s32 v2, v4;
	_ =	sdelay $0x2  }
0xb6: {  	[tilespmem:s16], [sflag:$0x2] =	stream.indirect_vreg.gather [hbm4b:s4+s2], $0x80, v5, vm0, $0xb8;
	[tilespmem:$0x18400] =	vst v63  }
0xb7: {  	s19 =	simm.s32 $0x8C00  }
0xb8: {  	[tilespmem:s19], [sflag:$0x2] =	stream.indirect_vreg.gather [hbm4b:s4+s2], $0x80, v4, vm0, $0xb8;
	[tilespmem:$0x18400] =	vst v63  }
0xb9: {  	v4 =	vld [tilespmem:$0x90];
	_ =	sdelay $0x4  }
0xba: {  	v5 =	vshll.u32 v4, $0x1  }
0xbb: {  	v4 =	vand.u32 $0x7, v4;
	v5 =	vand.u32 $0xFFFFFFF0, v5  }
0xbc: {  	v4 =	vor.u32 v4, v5  }
0xbd: {  	v5 =	vperm.xlane v4, v1;
	_ =	sdelay $0x1  }
0xbe: {  	v4 =	vperm.xlane v4, v3;
	v5 =	vadd.s32 v2, v5;
	_ =	sdelay $0x1  }
0xbf: {  	v4 =	vadd.s32 v2, v4;
	_ =	sdelay $0x1  }
0xc0: {  	s1 =	simm.s32 $0x9400  }
0xc1: {  	[tilespmem:s1], [sflag:$0x2] =	stream.indirect_vreg.gather [hbm4b:s4+s2], $0x80, v5, vm0, $0xb8;
	[tilespmem:$0x18400] =	vst v63  }
0xc2: {  	s19 =	simm.s32 $0x9C00  }
0xc3: {  	[tilespmem:s19], [sflag:$0x2] =	stream.indirect_vreg.gather [hbm4b:s4+s2], $0x80, v4, vm0, $0xb8;
	[tilespmem:$0x18400] =	vst v63  }
0xc4: {  	v4 =	vld [tilespmem:$0xA0];
	_ =	sdelay $0x4  }
0xc5: {  	v5 =	vshll.u32 v4, $0x1  }
0xc6: {  	v4 =	vand.u32 $0x7, v4;
	v5 =	vand.u32 $0xFFFFFFF0, v5  }
0xc7: {  	v4 =	vor.u32 v4, v5  }
0xc8: {  	v5 =	vperm.xlane v4, v1;
	_ =	sdelay $0x1  }
0xc9: {  	v4 =	vperm.xlane v4, v3;
	v5 =	vadd.s32 v2, v5;
	_ =	sdelay $0x1  }
0xca: {  	v4 =	vadd.s32 v2, v4;
	_ =	sdelay $0x1  }
0xcb: {  	s1 =	simm.s32 $0xA400  }
0xcc: {  	[tilespmem:s1], [sflag:$0x2] =	stream.indirect_vreg.gather [hbm4b:s4+s2], $0x80, v5, vm0, $0xb8;
	[tilespmem:$0x18400] =	vst v63  }
0xcd: {  	s19 =	simm.s32 $0xAC00  }
0xce: {  	[tilespmem:s19], [sflag:$0x2] =	stream.indirect_vreg.gather [hbm4b:s4+s2], $0x80, v4, vm0, $0xb8;
	[tilespmem:$0x18400] =	vst v63  }
0xcf: {  	v4 =	vld [tilespmem:$0xB0];
	_ =	sdelay $0x4  }
0xd0: {  	v5 =	vshll.u32 v4, $0x1  }
0xd1: {  	v4 =	vand.u32 $0x7, v4;
	v5 =	vand.u32 $0xFFFFFFF0, v5  }
0xd2: {  	v4 =	vor.u32 v4, v5  }
0xd3: {  	v5 =	vperm.xlane v4, v1;
	_ =	sdelay $0x1  }
0xd4: {  	v4 =	vperm.xlane v4, v3;
	v5 =	vadd.s32 v2, v5;
	_ =	sdelay $0x1  }
0xd5: {  	v4 =	vadd.s32 v2, v4;
	_ =	sdelay $0x1  }
0xd6: {  	s1 =	simm.s32 $0xB400  }
0xd7: {  	[tilespmem:s1], [sflag:$0x2] =	stream.indirect_vreg.gather [hbm4b:s4+s2], $0x80, v5, vm0, $0xb8;
	[tilespmem:$0x18400] =	vst v63  }
0xd8: {  	s19 =	simm.s32 $0xBC00  }
0xd9: {  	[tilespmem:s19], [sflag:$0x2] =	stream.indirect_vreg.gather [hbm4b:s4+s2], $0x80, v4, vm0, $0xb8;
	[tilespmem:$0x18400] =	vst v63  }
0xda: {  	v4 =	vld [tilespmem:$0xC0];
	_ =	sdelay $0x4  }
0xdb: {  	v5 =	vshll.u32 v4, $0x1  }
0xdc: {  	v4 =	vand.u32 $0x7, v4;
	v5 =	vand.u32 $0xFFFFFFF0, v5  }
0xdd: {  	v4 =	vor.u32 v4, v5  }
0xde: {  	v5 =	vperm.xlane v4, v1;
	_ =	sdelay $0x1  }
0xdf: {  	v4 =	vperm.xlane v4, v3;
	v5 =	vadd.s32 v2, v5;
	_ =	sdelay $0x1  }
0xe0: {  	v4 =	vadd.s32 v2, v4;
	_ =	sdelay $0x1  }
0xe1: {  	s1 =	simm.s32 $0xC400  }
0xe2: {  	[tilespmem:s1], [sflag:$0x2] =	stream.indirect_vreg.gather [hbm4b:s4+s2], $0x80, v5, vm0, $0xb8;
	[tilespmem:$0x18400] =	vst v63  }
0xe3: {  	s19 =	simm.s32 $0xCC00  }
0xe4: {  	[tilespmem:s19], [sflag:$0x2] =	stream.indirect_vreg.gather [hbm4b:s4+s2], $0x80, v4, vm0, $0xb8;
	[tilespmem:$0x18400] =	vst v63  }
0xe5: {  	v4 =	vld [tilespmem:$0xD0];
	_ =	sdelay $0x4  }
0xe6: {  	v5 =	vshll.u32 v4, $0x1  }
0xe7: {  	v4 =	vand.u32 $0x7, v4;
	v5 =	vand.u32 $0xFFFFFFF0, v5  }
0xe8: {  	v4 =	vor.u32 v4, v5  }
0xe9: {  	v5 =	vperm.xlane v4, v1;
	_ =	sdelay $0x1  }
0xea: {  	v4 =	vperm.xlane v4, v3;
	v5 =	vadd.s32 v2, v5;
	_ =	sdelay $0x1  }
0xeb: {  	v4 =	vadd.s32 v2, v4;
	_ =	sdelay $0x1  }
0xec: {  	s1 =	simm.s32 $0xD400  }
0xed: {  	[tilespmem:s1], [sflag:$0x2] =	stream.indirect_vreg.gather [hbm4b:s4+s2], $0x80, v5, vm0, $0xb8;
	[tilespmem:$0x18400] =	vst v63  }
0xee: {  	s19 =	simm.s32 $0xDC00  }
0xef: {  	[tilespmem:s19], [sflag:$0x2] =	stream.indirect_vreg.gather [hbm4b:s4+s2], $0x80, v4, vm0, $0xb8;
	[tilespmem:$0x18400] =	vst v63  }
0xf0: {  	v4 =	vld [tilespmem:$0xE0];
	_ =	sdelay $0x4  }
0xf1: {  	v5 =	vshll.u32 v4, $0x1  }
0xf2: {  	v4 =	vand.u32 $0x7, v4;
	v5 =	vand.u32 $0xFFFFFFF0, v5  }
0xf3: {  	v4 =	vor.u32 v4, v5  }
0xf4: {  	v5 =	vperm.xlane v4, v1;
	_ =	sdelay $0x1  }
0xf5: {  	v4 =	vperm.xlane v4, v3;
	v5 =	vadd.s32 v2, v5;
	_ =	sdelay $0x1  }
0xf6: {  	v4 =	vadd.s32 v2, v4;
	_ =	sdelay $0x1  }
0xf7: {  	s1 =	simm.s32 $0xE400  }
0xf8: {  	[tilespmem:s1], [sflag:$0x2] =	stream.indirect_vreg.gather [hbm4b:s4+s2], $0x80, v5, vm0, $0xb8;
	[tilespmem:$0x18400] =	vst v63  }
0xf9: {  	s19 =	simm.s32 $0xEC00  }
0xfa: {  	[tilespmem:s19], [sflag:$0x2] =	stream.indirect_vreg.gather [hbm4b:s4+s2], $0x80, v4, vm0, $0xb8;
	[tilespmem:$0x18400] =	vst v63  }
0xfb: {  	v4 =	vld [tilespmem:$0xF0];
	_ =	sdelay $0x4  }
0xfc: {  	v5 =	vshll.u32 v4, $0x1  }
0xfd: {  	v4 =	vand.u32 $0x7, v4;
	v5 =	vand.u32 $0xFFFFFFF0, v5  }
0xfe: {  	v4 =	vor.u32 v4, v5  }
0xff: {  	v5 =	vperm.xlane v4, v1;
	_ =	sdelay $0x1  }
0x100: {  	v4 =	vperm.xlane v4, v3;
	v5 =	vadd.s32 v2, v5;
	_ =	sdelay $0x1  }
0x101: {  	v4 =	vadd.s32 v2, v4;
	_ =	sdelay $0x1  }
0x102: {  	s1 =	simm.s32 $0xF400  }
0x103: {  	[tilespmem:s1], [sflag:$0x2] =	stream.indirect_vreg.gather [hbm4b:s4+s2], $0x80, v5, vm0, $0xb8;
	[tilespmem:$0x18400] =	vst v63  }
0x104: {  	s19 =	simm.s32 $0xFC00  }
0x105: {  	[tilespmem:s19], [sflag:$0x2] =	stream.indirect_vreg.gather [hbm4b:s4+s2], $0x80, v4, vm0, $0xb8;
	[tilespmem:$0x18400] =	vst v63  }
0x106: {  	_ =	swait.ge [sflag:s28], $0x8000  }
0x107: {  	[sflag:s28] =	ssyncset.done $0x0  }
0x108: {  	s1 =	rddreg [dreg:$0xb];
	[sflag:s28] =	ssyncadd.s32 $0xFFFF8000  }
0x109: {  	[hbm4b:s1+s2] =	stream.linear.scatter [tilespmem:s23], [sflag:$0x4], $0x8000, $0x38;
	[tilespmem:$0x18400] =	vst v63  }
0x10a: {  	v4 =	vld [tilespmem:$0x100];
	_ =	sdelay $0x4  }
0x10b: {  	v5 =	vshll.u32 v4, $0x1  }
0x10c: {  	v4 =	vand.u32 $0x7, v4;
	v5 =	vand.u32 $0xFFFFFFF0, v5  }
0x10d: {  	v4 =	vor.u32 v4, v5  }
0x10e: {  	v5 =	vperm.xlane v4, v1;
	_ =	sdelay $0x1  }
0x10f: {  	v4 =	vperm.xlane v4, v3;
	v5 =	vadd.s32 v2, v5;
	_ =	sdelay $0x1  }
0x110: {  	v4 =	vadd.s32 v2, v4;
	_ =	sdelay $0x1  }
0x111: {  	s0 =	simm.s32 $0x10400  }
0x112: {  	[tilespmem:s0], [sflag:$0x3] =	stream.indirect_vreg.gather [hbm4b:s4+s2], $0x80, v5, vm0, $0xb8;
	[tilespmem:$0x18400] =	vst v63  }
0x113: {  	s1 =	simm.s32 $0x10C00  }
0x114: {  	[tilespmem:s1], [sflag:$0x3] =	stream.indirect_vreg.gather [hbm4b:s4+s2], $0x80, v4, vm0, $0xb8;
	[tilespmem:$0x18400] =	vst v63  }
0x115: {  	v4 =	vld [tilespmem:$0x110];
	_ =	sdelay $0x4  }
0x116: {  	v5 =	vshll.u32 v4, $0x1  }
0x117: {  	v4 =	vand.u32 $0x7, v4;
	v5 =	vand.u32 $0xFFFFFFF0, v5  }
0x118: {  	v4 =	vor.u32 v4, v5  }
0x119: {  	v5 =	vperm.xlane v4, v1;
	_ =	sdelay $0x1  }
0x11a: {  	v4 =	vperm.xlane v4, v3;
	v5 =	vadd.s32 v2, v5;
	_ =	sdelay $0x1  }
0x11b: {  	v4 =	vadd.s32 v2, v4;
	_ =	sdelay $0x2  }
0x11c: {  	[tilespmem:s3], [sflag:$0x3] =	stream.indirect_vreg.gather [hbm4b:s4+s2], $0x80, v5, vm0, $0xb8;
	[tilespmem:$0x18400] =	vst v63  }
0x11d: {  	_ = 	snop  }
0x11e: {  	[tilespmem:s6], [sflag:$0x3] =	stream.indirect_vreg.gather [hbm4b:s4+s2], $0x80, v4, vm0, $0xb8;
	[tilespmem:$0x18400] =	vst v63  }
0x11f: {  	v4 =	vld [tilespmem:$0x120];
	_ =	sdelay $0x4  }
0x120: {  	v5 =	vshll.u32 v4, $0x1  }
0x121: {  	v4 =	vand.u32 $0x7, v4;
	v5 =	vand.u32 $0xFFFFFFF0, v5  }
0x122: {  	v4 =	vor.u32 v4, v5  }
0x123: {  	v5 =	vperm.xlane v4, v1;
	_ =	sdelay $0x1  }
0x124: {  	v4 =	vperm.xlane v4, v3;
	v5 =	vadd.s32 v2, v5;
	_ =	sdelay $0x1  }
0x125: {  	v4 =	vadd.s32 v2, v4;
	_ =	sdelay $0x2  }
0x126: {  	[tilespmem:s7], [sflag:$0x3] =	stream.indirect_vreg.gather [hbm4b:s4+s2], $0x80, v5, vm0, $0xb8;
	[tilespmem:$0x18400] =	vst v63  }
0x127: {  	_ = 	snop  }
0x128: {  	[tilespmem:s8], [sflag:$0x3] =	stream.indirect_vreg.gather [hbm4b:s4+s2], $0x80, v4, vm0, $0xb8;
	[tilespmem:$0x18400] =	vst v63  }
0x129: {  	v4 =	vld [tilespmem:$0x130];
	_ =	sdelay $0x4  }
0x12a: {  	v5 =	vshll.u32 v4, $0x1  }
0x12b: {  	v4 =	vand.u32 $0x7, v4;
	v5 =	vand.u32 $0xFFFFFFF0, v5  }
0x12c: {  	v4 =	vor.u32 v4, v5  }
0x12d: {  	v5 =	vperm.xlane v4, v1;
	_ =	sdelay $0x1  }
0x12e: {  	v4 =	vperm.xlane v4, v3;
	v5 =	vadd.s32 v2, v5;
	_ =	sdelay $0x1  }
0x12f: {  	v4 =	vadd.s32 v2, v4;
	_ =	sdelay $0x2  }
0x130: {  	[tilespmem:s9], [sflag:$0x3] =	stream.indirect_vreg.gather [hbm4b:s4+s2], $0x80, v5, vm0, $0xb8;
	[tilespmem:$0x18400] =	vst v63  }
0x131: {  	_ = 	snop  }
0x132: {  	[tilespmem:s10], [sflag:$0x3] =	stream.indirect_vreg.gather [hbm4b:s4+s2], $0x80, v4, vm0, $0xb8;
	[tilespmem:$0x18400] =	vst v63  }
0x133: {  	v4 =	vld [tilespmem:$0x140];
	_ =	sdelay $0x4  }
0x134: {  	v5 =	vshll.u32 v4, $0x1  }
0x135: {  	v4 =	vand.u32 $0x7, v4;
	v5 =	vand.u32 $0xFFFFFFF0, v5  }
0x136: {  	v4 =	vor.u32 v4, v5  }
0x137: {  	v5 =	vperm.xlane v4, v1;
	_ =	sdelay $0x1  }
0x138: {  	v4 =	vperm.xlane v4, v3;
	v5 =	vadd.s32 v2, v5;
	_ =	sdelay $0x1  }
0x139: {  	v4 =	vadd.s32 v2, v4;
	_ =	sdelay $0x2  }
0x13a: {  	[tilespmem:s11], [sflag:$0x3] =	stream.indirect_vreg.gather [hbm4b:s4+s2], $0x80, v5, vm0, $0xb8;
	[tilespmem:$0x18400] =	vst v63  }
0x13b: {  	_ = 	snop  }
0x13c: {  	[tilespmem:s12], [sflag:$0x3] =	stream.indirect_vreg.gather [hbm4b:s4+s2], $0x80, v4, vm0, $0xb8;
	[tilespmem:$0x18400] =	vst v63  }
0x13d: {  	v4 =	vld [tilespmem:$0x150];
	_ =	sdelay $0x4  }
0x13e: {  	v5 =	vshll.u32 v4, $0x1  }
0x13f: {  	v4 =	vand.u32 $0x7, v4;
	v5 =	vand.u32 $0xFFFFFFF0, v5  }
0x140: {  	v4 =	vor.u32 v4, v5  }
0x141: {  	v5 =	vperm.xlane v4, v1;
	_ =	sdelay $0x1  }
0x142: {  	v4 =	vperm.xlane v4, v3;
	v5 =	vadd.s32 v2, v5;
	_ =	sdelay $0x1  }
0x143: {  	v4 =	vadd.s32 v2, v4;
	_ =	sdelay $0x2  }
0x144: {  	[tilespmem:s13], [sflag:$0x3] =	stream.indirect_vreg.gather [hbm4b:s4+s2], $0x80, v5, vm0, $0xb8;
	[tilespmem:$0x18400] =	vst v63  }
0x145: {  	_ = 	snop  }
0x146: {  	[tilespmem:s18], [sflag:$0x3] =	stream.indirect_vreg.gather [hbm4b:s4+s2], $0x80, v4, vm0, $0xb8;
	[tilespmem:$0x18400] =	vst v63  }
0x147: {  	v4 =	vld [tilespmem:$0x160];
	_ =	sdelay $0x4  }
0x148: {  	v5 =	vshll.u32 v4, $0x1  }
0x149: {  	v4 =	vand.u32 $0x7, v4;
	v5 =	vand.u32 $0xFFFFFFF0, v5  }
0x14a: {  	v4 =	vor.u32 v4, v5  }
0x14b: {  	v5 =	vperm.xlane v4, v1;
	_ =	sdelay $0x1  }
0x14c: {  	v4 =	vperm.xlane v4, v3;
	v5 =	vadd.s32 v2, v5;
	_ =	sdelay $0x1  }
0x14d: {  	v4 =	vadd.s32 v2, v4;
	_ =	sdelay $0x2  }
0x14e: {  	[tilespmem:s20], [sflag:$0x3] =	stream.indirect_vreg.gather [hbm4b:s4+s2], $0x80, v5, vm0, $0xb8;
	[tilespmem:$0x18400] =	vst v63  }
0x14f: {  	_ = 	snop  }
0x150: {  	[tilespmem:s21], [sflag:$0x3] =	stream.indirect_vreg.gather [hbm4b:s4+s2], $0x80, v4, vm0, $0xb8;
	[tilespmem:$0x18400] =	vst v63  }
0x151: {  	v4 =	vld [tilespmem:$0x170];
	_ =	sdelay $0x4  }
0x152: {  	v5 =	vshll.u32 v4, $0x1  }
0x153: {  	v4 =	vand.u32 $0x7, v4;
	v5 =	vand.u32 $0xFFFFFFF0, v5  }
0x154: {  	v4 =	vor.u32 v4, v5  }
0x155: {  	v5 =	vperm.xlane v4, v1;
	_ =	sdelay $0x1  }
0x156: {  	v4 =	vperm.xlane v4, v3;
	v5 =	vadd.s32 v2, v5;
	_ =	sdelay $0x1  }
0x157: {  	v4 =	vadd.s32 v2, v4;
	_ =	sdelay $0x2  }
0x158: {  	[tilespmem:s22], [sflag:$0x3] =	stream.indirect_vreg.gather [hbm4b:s4+s2], $0x80, v5, vm0, $0xb8;
	[tilespmem:$0x18400] =	vst v63  }
0x159: {  	_ = 	snop  }
0x15a: {  	[tilespmem:s24], [sflag:$0x3] =	stream.indirect_vreg.gather [hbm4b:s4+s2], $0x80, v4, vm0, $0xb8;
	[tilespmem:$0x18400] =	vst v63  }
0x15b: {  	_ =	swait.ge [sflag:s14], $0x8000  }
0x15c: {  	[sflag:s14] =	ssyncset.done $0x0  }
0x15d: {  	s19 =	rddreg [dreg:$0x4];
	[sflag:s14] =	ssyncadd.s32 $0xFFFF8000  }
0x15e: {  	[hbm4b:s19+s2] =	stream.linear.scatter [tilespmem:s16], [sflag:$0x5], $0x8000, $0x38;
	[tilespmem:$0x18400] =	vst v63  }
0x15f: {  	_ =	swait.ge [sflag:s15], $0x8000  }
0x160: {  	[sflag:s15] =	ssyncset.done $0x0  }
0x161: {  	[sflag:s15] =	ssyncadd.s32 $0xFFFF8000  }
0x162: {  	v4 =	vld [tilespmem:$0x180];
	_ =	sdelay $0x4  }
0x163: {  	v5 =	vshll.u32 v4, $0x1  }
0x164: {  	v4 =	vand.u32 $0x7, v4;
	v5 =	vand.u32 $0xFFFFFFF0, v5  }
0x165: {  	v4 =	vor.u32 v4, v5  }
0x166: {  	v5 =	vperm.xlane v4, v1;
	_ =	sdelay $0x1  }
0x167: {  	v4 =	vperm.xlane v4, v3;
	v5 =	vadd.s32 v2, v5;
	_ =	sdelay $0x1  }
0x168: {  	v4 =	vadd.s32 v2, v4;
	_ =	sdelay $0x2  }
0x169: {  	[tilespmem:s23], [sflag:$0x1] =	stream.indirect_vreg.gather [hbm4b:s4+s2], $0x80, v5, vm0, $0xb8;
	[tilespmem:$0x18400] =	vst v63  }
0x16a: {  	s25 =	simm.s32 $0xC00  }
0x16b: {  	[tilespmem:s25], [sflag:$0x1] =	stream.indirect_vreg.gather [hbm4b:s4+s2], $0x80, v4, vm0, $0xb8;
	[tilespmem:$0x18400] =	vst v63  }
0x16c: {  	v4 =	vld [tilespmem:$0x190];
	_ =	sdelay $0x4  }
0x16d: {  	v5 =	vshll.u32 v4, $0x1  }
0x16e: {  	v4 =	vand.u32 $0x7, v4;
	v5 =	vand.u32 $0xFFFFFFF0, v5  }
0x16f: {  	v4 =	vor.u32 v4, v5  }
0x170: {  	v5 =	vperm.xlane v4, v1;
	_ =	sdelay $0x1  }
0x171: {  	v4 =	vperm.xlane v4, v3;
	v5 =	vadd.s32 v2, v5;
	_ =	sdelay $0x1  }
0x172: {  	v4 =	vadd.s32 v2, v4;
	_ =	sdelay $0x1  }
0x173: {  	s25 =	simm.s32 $0x1400  }
0x174: {  	[tilespmem:s25], [sflag:$0x1] =	stream.indirect_vreg.gather [hbm4b:s4+s2], $0x80, v5, vm0, $0xb8;
	[tilespmem:$0x18400] =	vst v63  }
0x175: {  	s26 =	simm.s32 $0x1C00  }
0x176: {  	[tilespmem:s26], [sflag:$0x1] =	stream.indirect_vreg.gather [hbm4b:s4+s2], $0x80, v4, vm0, $0xb8;
	[tilespmem:$0x18400] =	vst v63  }
0x177: {  	v4 =	vld [tilespmem:$0x1A0];
	_ =	sdelay $0x4  }
0x178: {  	v5 =	vshll.u32 v4, $0x1  }
0x179: {  	v4 =	vand.u32 $0x7, v4;
	v5 =	vand.u32 $0xFFFFFFF0, v5  }
0x17a: {  	v4 =	vor.u32 v4, v5  }
0x17b: {  	v5 =	vperm.xlane v4, v1;
	_ =	sdelay $0x1  }
0x17c: {  	v4 =	vperm.xlane v4, v3;
	v5 =	vadd.s32 v2, v5;
	_ =	sdelay $0x1  }
0x17d: {  	v4 =	vadd.s32 v2, v4;
	_ =	sdelay $0x1  }
0x17e: {  	s25 =	simm.s32 $0x2400  }
0x17f: {  	[tilespmem:s25], [sflag:$0x1] =	stream.indirect_vreg.gather [hbm4b:s4+s2], $0x80, v5, vm0, $0xb8;
	[tilespmem:$0x18400] =	vst v63  }
0x180: {  	s26 =	simm.s32 $0x2C00  }
0x181: {  	[tilespmem:s26], [sflag:$0x1] =	stream.indirect_vreg.gather [hbm4b:s4+s2], $0x80, v4, vm0, $0xb8;
	[tilespmem:$0x18400] =	vst v63  }
0x182: {  	v4 =	vld [tilespmem:$0x1B0];
	_ =	sdelay $0x4  }
0x183: {  	v5 =	vshll.u32 v4, $0x1  }
0x184: {  	v4 =	vand.u32 $0x7, v4;
	v5 =	vand.u32 $0xFFFFFFF0, v5  }
0x185: {  	v4 =	vor.u32 v4, v5  }
0x186: {  	v5 =	vperm.xlane v4, v1;
	_ =	sdelay $0x1  }
0x187: {  	v4 =	vperm.xlane v4, v3;
	v5 =	vadd.s32 v2, v5;
	_ =	sdelay $0x1  }
0x188: {  	v4 =	vadd.s32 v2, v4;
	_ =	sdelay $0x1  }
0x189: {  	s25 =	simm.s32 $0x3400  }
0x18a: {  	[tilespmem:s25], [sflag:$0x1] =	stream.indirect_vreg.gather [hbm4b:s4+s2], $0x80, v5, vm0, $0xb8;
	[tilespmem:$0x18400] =	vst v63  }
0x18b: {  	s26 =	simm.s32 $0x3C00  }
0x18c: {  	[tilespmem:s26], [sflag:$0x1] =	stream.indirect_vreg.gather [hbm4b:s4+s2], $0x80, v4, vm0, $0xb8;
	[tilespmem:$0x18400] =	vst v63  }
0x18d: {  	v4 =	vld [tilespmem:$0x1C0];
	_ =	sdelay $0x4  }
0x18e: {  	v5 =	vshll.u32 v4, $0x1  }
0x18f: {  	v4 =	vand.u32 $0x7, v4;
	v5 =	vand.u32 $0xFFFFFFF0, v5  }
0x190: {  	v4 =	vor.u32 v4, v5  }
0x191: {  	v5 =	vperm.xlane v4, v1;
	_ =	sdelay $0x1  }
0x192: {  	v4 =	vperm.xlane v4, v3;
	v5 =	vadd.s32 v2, v5;
	_ =	sdelay $0x1  }
0x193: {  	v4 =	vadd.s32 v2, v4;
	_ =	sdelay $0x2  }
0x194: {  	[tilespmem:s29], [sflag:$0x1] =	stream.indirect_vreg.gather [hbm4b:s4+s2], $0x80, v5, vm0, $0xb8;
	[tilespmem:$0x18400] =	vst v63  }
0x195: {  	_ = 	snop  }
0x196: {  	[tilespmem:s30], [sflag:$0x1] =	stream.indirect_vreg.gather [hbm4b:s4+s2], $0x80, v4, vm0, $0xb8;
	[tilespmem:$0x18400] =	vst v63  }
0x197: {  	v4 =	vld [tilespmem:$0x1D0];
	_ =	sdelay $0x4  }
0x198: {  	v5 =	vshll.u32 v4, $0x1  }
0x199: {  	v4 =	vand.u32 $0x7, v4;
	v5 =	vand.u32 $0xFFFFFFF0, v5  }
0x19a: {  	v4 =	vor.u32 v4, v5  }
0x19b: {  	v5 =	vperm.xlane v4, v1;
	_ =	sdelay $0x1  }
0x19c: {  	v4 =	vperm.xlane v4, v3;
	v5 =	vadd.s32 v2, v5;
	_ =	sdelay $0x1  }
0x19d: {  	v4 =	vadd.s32 v2, v4;
	_ =	sdelay $0x2  }
0x19e: {  	[tilespmem:s31], [sflag:$0x1] =	stream.indirect_vreg.gather [hbm4b:s4+s2], $0x80, v5, vm0, $0xb8;
	[tilespmem:$0x18400] =	vst v63  }
0x19f: {  	s25 =	simm.s32 $0x5C00  }
0x1a0: {  	[tilespmem:s25], [sflag:$0x1] =	stream.indirect_vreg.gather [hbm4b:s4+s2], $0x80, v4, vm0, $0xb8;
	[tilespmem:$0x18400] =	vst v63  }
0x1a1: {  	v4 =	vld [tilespmem:$0x1E0];
	_ =	sdelay $0x4  }
0x1a2: {  	v5 =	vshll.u32 v4, $0x1  }
0x1a3: {  	v4 =	vand.u32 $0x7, v4;
	v5 =	vand.u32 $0xFFFFFFF0, v5  }
0x1a4: {  	v4 =	vor.u32 v4, v5  }
0x1a5: {  	v5 =	vperm.xlane v4, v1;
	_ =	sdelay $0x1  }
0x1a6: {  	v4 =	vperm.xlane v4, v3;
	v5 =	vadd.s32 v2, v5;
	_ =	sdelay $0x1  }
0x1a7: {  	v4 =	vadd.s32 v2, v4;
	_ =	sdelay $0x1  }
0x1a8: {  	s26 =	simm.s32 $0x6400  }
0x1a9: {  	[tilespmem:s26], [sflag:$0x1] =	stream.indirect_vreg.gather [hbm4b:s4+s2], $0x80, v5, vm0, $0xb8;
	[tilespmem:$0x18400] =	vst v63  }
0x1aa: {  	s25 =	simm.s32 $0x6C00  }
0x1ab: {  	[tilespmem:s25], [sflag:$0x1] =	stream.indirect_vreg.gather [hbm4b:s4+s2], $0x80, v4, vm0, $0xb8;
	[tilespmem:$0x18400] =	vst v63  }
0x1ac: {  	v4 =	vld [tilespmem:$0x1F0];
	_ =	sdelay $0x4  }
0x1ad: {  	v5 =	vshll.u32 v4, $0x1  }
0x1ae: {  	v4 =	vand.u32 $0x7, v4;
	v5 =	vand.u32 $0xFFFFFFF0, v5  }
0x1af: {  	v4 =	vor.u32 v4, v5  }
0x1b0: {  	v5 =	vperm.xlane v4, v1;
	_ =	sdelay $0x1  }
0x1b1: {  	v4 =	vperm.xlane v4, v3;
	v5 =	vadd.s32 v2, v5;
	_ =	sdelay $0x1  }
0x1b2: {  	v4 =	vadd.s32 v2, v4;
	_ =	sdelay $0x1  }
0x1b3: {  	s26 =	simm.s32 $0x7400  }
0x1b4: {  	[tilespmem:s26], [sflag:$0x1] =	stream.indirect_vreg.gather [hbm4b:s4+s2], $0x80, v5, vm0, $0xb8;
	[tilespmem:$0x18400] =	vst v63  }
0x1b5: {  	s25 =	simm.s32 $0x7C00  }
0x1b6: {  	[tilespmem:s25], [sflag:$0x1] =	stream.indirect_vreg.gather [hbm4b:s4+s2], $0x80, v4, vm0, $0xb8;
	[tilespmem:$0x18400] =	vst v63  }
0x1b7: {  	s25 =	simm.s32 $0x3  }
0x1b8: {  	_ =	swait.ge [sflag:s25], $0x8000  }
0x1b9: {  	[sflag:s25] =	ssyncset.done $0x0  }
0x1ba: {  	s26 =	rddreg [dreg:$0x5];
	[sflag:s25] =	ssyncadd.s32 $0xFFFF8000  }
0x1bb: {  	[hbm4b:s26+s2] =	stream.linear.scatter [tilespmem:s0], [sflag:$0x6], $0x8000, $0x38;
	[tilespmem:$0x18400] =	vst v63  }
0x1bc: {  	_ =	swait.ge [sflag:s17], $0x8000  }
0x1bd: {  	[sflag:s17] =	ssyncset.done $0x0  }
0x1be: {  	[sflag:s17] =	ssyncadd.s32 $0xFFFF8000  }
0x1bf: {  	v4 =	vld [tilespmem:$0x200];
	_ =	sdelay $0x4  }
0x1c0: {  	v5 =	vshll.u32 v4, $0x1  }
0x1c1: {  	v4 =	vand.u32 $0x7, v4;
	v5 =	vand.u32 $0xFFFFFFF0, v5  }
0x1c2: {  	v4 =	vor.u32 v4, v5  }
0x1c3: {  	v5 =	vperm.xlane v4, v1;
	_ =	sdelay $0x1  }
0x1c4: {  	v4 =	vperm.xlane v4, v3;
	v5 =	vadd.s32 v2, v5;
	_ =	sdelay $0x1  }
0x1c5: {  	v4 =	vadd.s32 v2, v4;
	_ =	sdelay $0x2  }
0x1c6: {  	[tilespmem:s16], [sflag:$0x2] =	stream.indirect_vreg.gather [hbm4b:s4+s2], $0x80, v5, vm0, $0xb8;
	[tilespmem:$0x18400] =	vst v63  }
0x1c7: {  	s26 =	simm.s32 $0x8C00  }
0x1c8: {  	[tilespmem:s26], [sflag:$0x2] =	stream.indirect_vreg.gather [hbm4b:s4+s2], $0x80, v4, vm0, $0xb8;
	[tilespmem:$0x18400] =	vst v63  }
0x1c9: {  	v4 =	vld [tilespmem:$0x210];
	_ =	sdelay $0x4  }
0x1ca: {  	v5 =	vshll.u32 v4, $0x1  }
0x1cb: {  	v4 =	vand.u32 $0x7, v4;
	v5 =	vand.u32 $0xFFFFFFF0, v5  }
0x1cc: {  	v4 =	vor.u32 v4, v5  }
0x1cd: {  	v5 =	vperm.xlane v4, v1;
	_ =	sdelay $0x1  }
0x1ce: {  	v4 =	vperm.xlane v4, v3;
	v5 =	vadd.s32 v2, v5;
	_ =	sdelay $0x1  }
0x1cf: {  	v4 =	vadd.s32 v2, v4;
	_ =	sdelay $0x1  }
0x1d0: {  	s26 =	simm.s32 $0x9400  }
0x1d1: {  	[tilespmem:s26], [sflag:$0x2] =	stream.indirect_vreg.gather [hbm4b:s4+s2], $0x80, v5, vm0, $0xb8;
	[tilespmem:$0x18400] =	vst v63  }
0x1d2: {  	s26 =	simm.s32 $0x9C00  }
0x1d3: {  	[tilespmem:s26], [sflag:$0x2] =	stream.indirect_vreg.gather [hbm4b:s4+s2], $0x80, v4, vm0, $0xb8;
	[tilespmem:$0x18400] =	vst v63  }
0x1d4: {  	v4 =	vld [tilespmem:$0x220];
	_ =	sdelay $0x4  }
0x1d5: {  	v5 =	vshll.u32 v4, $0x1  }
0x1d6: {  	v4 =	vand.u32 $0x7, v4;
	v5 =	vand.u32 $0xFFFFFFF0, v5  }
0x1d7: {  	v4 =	vor.u32 v4, v5  }
0x1d8: {  	v5 =	vperm.xlane v4, v1;
	_ =	sdelay $0x1  }
0x1d9: {  	v4 =	vperm.xlane v4, v3;
	v5 =	vadd.s32 v2, v5;
	_ =	sdelay $0x1  }
0x1da: {  	v4 =	vadd.s32 v2, v4;
	_ =	sdelay $0x1  }
0x1db: {  	s26 =	simm.s32 $0xA400  }
0x1dc: {  	[tilespmem:s26], [sflag:$0x2] =	stream.indirect_vreg.gather [hbm4b:s4+s2], $0x80, v5, vm0, $0xb8;
	[tilespmem:$0x18400] =	vst v63  }
0x1dd: {  	s26 =	simm.s32 $0xAC00  }
0x1de: {  	[tilespmem:s26], [sflag:$0x2] =	stream.indirect_vreg.gather [hbm4b:s4+s2], $0x80, v4, vm0, $0xb8;
	[tilespmem:$0x18400] =	vst v63  }
0x1df: {  	v4 =	vld [tilespmem:$0x230];
	_ =	sdelay $0x4  }
0x1e0: {  	v5 =	vshll.u32 v4, $0x1  }
0x1e1: {  	v4 =	vand.u32 $0x7, v4;
	v5 =	vand.u32 $0xFFFFFFF0, v5  }
0x1e2: {  	v4 =	vor.u32 v4, v5  }
0x1e3: {  	v5 =	vperm.xlane v4, v1;
	_ =	sdelay $0x1  }
0x1e4: {  	v4 =	vperm.xlane v4, v3;
	v5 =	vadd.s32 v2, v5;
	_ =	sdelay $0x1  }
0x1e5: {  	v4 =	vadd.s32 v2, v4;
	_ =	sdelay $0x1  }
0x1e6: {  	s26 =	simm.s32 $0xB400  }
0x1e7: {  	[tilespmem:s26], [sflag:$0x2] =	stream.indirect_vreg.gather [hbm4b:s4+s2], $0x80, v5, vm0, $0xb8;
	[tilespmem:$0x18400] =	vst v63  }
0x1e8: {  	s26 =	simm.s32 $0xBC00  }
0x1e9: {  	[tilespmem:s26], [sflag:$0x2] =	stream.indirect_vreg.gather [hbm4b:s4+s2], $0x80, v4, vm0, $0xb8;
	[tilespmem:$0x18400] =	vst v63  }
0x1ea: {  	v4 =	vld [tilespmem:$0x240];
	_ =	sdelay $0x4  }
0x1eb: {  	v5 =	vshll.u32 v4, $0x1  }
0x1ec: {  	v4 =	vand.u32 $0x7, v4;
	v5 =	vand.u32 $0xFFFFFFF0, v5  }
0x1ed: {  	v4 =	vor.u32 v4, v5  }
0x1ee: {  	v5 =	vperm.xlane v4, v1;
	_ =	sdelay $0x1  }
0x1ef: {  	v4 =	vperm.xlane v4, v3;
	v5 =	vadd.s32 v2, v5;
	_ =	sdelay $0x1  }
0x1f0: {  	v4 =	vadd.s32 v2, v4;
	_ =	sdelay $0x1  }
0x1f1: {  	s26 =	simm.s32 $0xC400  }
0x1f2: {  	[tilespmem:s26], [sflag:$0x2] =	stream.indirect_vreg.gather [hbm4b:s4+s2], $0x80, v5, vm0, $0xb8;
	[tilespmem:$0x18400] =	vst v63  }
0x1f3: {  	s26 =	simm.s32 $0xCC00  }
0x1f4: {  	[tilespmem:s26], [sflag:$0x2] =	stream.indirect_vreg.gather [hbm4b:s4+s2], $0x80, v4, vm0, $0xb8;
	[tilespmem:$0x18400] =	vst v63  }
0x1f5: {  	v4 =	vld [tilespmem:$0x250];
	_ =	sdelay $0x4  }
0x1f6: {  	v5 =	vshll.u32 v4, $0x1  }
0x1f7: {  	v4 =	vand.u32 $0x7, v4;
	v5 =	vand.u32 $0xFFFFFFF0, v5  }
0x1f8: {  	v4 =	vor.u32 v4, v5  }
0x1f9: {  	v5 =	vperm.xlane v4, v1;
	_ =	sdelay $0x1  }
0x1fa: {  	v4 =	vperm.xlane v4, v3;
	v5 =	vadd.s32 v2, v5;
	_ =	sdelay $0x1  }
0x1fb: {  	v4 =	vadd.s32 v2, v4;
	_ =	sdelay $0x1  }
0x1fc: {  	s26 =	simm.s32 $0xD400  }
0x1fd: {  	[tilespmem:s26], [sflag:$0x2] =	stream.indirect_vreg.gather [hbm4b:s4+s2], $0x80, v5, vm0, $0xb8;
	[tilespmem:$0x18400] =	vst v63  }
0x1fe: {  	s26 =	simm.s32 $0xDC00  }
0x1ff: {  	[tilespmem:s26], [sflag:$0x2] =	stream.indirect_vreg.gather [hbm4b:s4+s2], $0x80, v4, vm0, $0xb8;
	[tilespmem:$0x18400] =	vst v63  }
0x200: {  	v4 =	vld [tilespmem:$0x260];
	_ =	sdelay $0x4  }
0x201: {  	v5 =	vshll.u32 v4, $0x1  }
0x202: {  	v4 =	vand.u32 $0x7, v4;
	v5 =	vand.u32 $0xFFFFFFF0, v5  }
0x203: {  	v4 =	vor.u32 v4, v5  }
0x204: {  	v5 =	vperm.xlane v4, v1;
	_ =	sdelay $0x1  }
0x205: {  	v4 =	vperm.xlane v4, v3;
	v5 =	vadd.s32 v2, v5;
	_ =	sdelay $0x1  }
0x206: {  	v4 =	vadd.s32 v2, v4;
	_ =	sdelay $0x1  }
0x207: {  	s26 =	simm.s32 $0xE400  }
0x208: {  	[tilespmem:s26], [sflag:$0x2] =	stream.indirect_vreg.gather [hbm4b:s4+s2], $0x80, v5, vm0, $0xb8;
	[tilespmem:$0x18400] =	vst v63  }
0x209: {  	s26 =	simm.s32 $0xEC00  }
0x20a: {  	[tilespmem:s26], [sflag:$0x2] =	stream.indirect_vreg.gather [hbm4b:s4+s2], $0x80, v4, vm0, $0xb8;
	[tilespmem:$0x18400] =	vst v63  }
0x20b: {  	v4 =	vld [tilespmem:$0x270];
	_ =	sdelay $0x4  }
0x20c: {  	v5 =	vshll.u32 v4, $0x1  }
0x20d: {  	v4 =	vand.u32 $0x7, v4;
	v5 =	vand.u32 $0xFFFFFFF0, v5  }
0x20e: {  	v4 =	vor.u32 v4, v5  }
0x20f: {  	v5 =	vperm.xlane v4, v1;
	_ =	sdelay $0x1  }
0x210: {  	v4 =	vperm.xlane v4, v3;
	v5 =	vadd.s32 v2, v5;
	_ =	sdelay $0x1  }
0x211: {  	v4 =	vadd.s32 v2, v4;
	_ =	sdelay $0x1  }
0x212: {  	s26 =	simm.s32 $0xF400  }
0x213: {  	[tilespmem:s26], [sflag:$0x2] =	stream.indirect_vreg.gather [hbm4b:s4+s2], $0x80, v5, vm0, $0xb8;
	[tilespmem:$0x18400] =	vst v63  }
0x214: {  	s26 =	simm.s32 $0xFC00  }
0x215: {  	[tilespmem:s26], [sflag:$0x2] =	stream.indirect_vreg.gather [hbm4b:s4+s2], $0x80, v4, vm0, $0xb8;
	[tilespmem:$0x18400] =	vst v63  }
0x216: {  	_ =	swait.ge [sflag:s28], $0x8000  }
0x217: {  	[sflag:s28] =	ssyncset.done $0x0  }
0x218: {  	s26 =	rddreg [dreg:$0x6];
	[sflag:s28] =	ssyncadd.s32 $0xFFFF8000  }
0x219: {  	[hbm4b:s26+s2] =	stream.linear.scatter [tilespmem:s23], [sflag:$0x4], $0x8000, $0x38;
	[tilespmem:$0x18400] =	vst v63  }
0x21a: {  	s26 =	simm.s32 $0x6  }
0x21b: {  	_ =	swait.ge [sflag:s26], $0x8000  }
0x21c: {  	[sflag:s26] =	ssyncset.done $0x0  }
0x21d: {  	[sflag:s26] =	ssyncadd.s32 $0xFFFF8000  }
0x21e: {  	v4 =	vld [tilespmem:$0x280];
	_ =	sdelay $0x4  }
0x21f: {  	v5 =	vshll.u32 v4, $0x1  }
0x220: {  	v4 =	vand.u32 $0x7, v4;
	v5 =	vand.u32 $0xFFFFFFF0, v5  }
0x221: {  	v4 =	vor.u32 v4, v5  }
0x222: {  	v5 =	vperm.xlane v4, v1;
	_ =	sdelay $0x1  }
0x223: {  	v4 =	vperm.xlane v4, v3;
	v5 =	vadd.s32 v2, v5;
	_ =	sdelay $0x1  }
0x224: {  	v4 =	vadd.s32 v2, v4;
	_ =	sdelay $0x2  }
0x225: {  	[tilespmem:s0], [sflag:$0x3] =	stream.indirect_vreg.gather [hbm4b:s4+s2], $0x80, v5, vm0, $0xb8;
	[tilespmem:$0x18400] =	vst v63  }
0x226: {  	_ = 	snop  }
0x227: {  	[tilespmem:s1], [sflag:$0x3] =	stream.indirect_vreg.gather [hbm4b:s4+s2], $0x80, v4, vm0, $0xb8;
	[tilespmem:$0x18400] =	vst v63  }
0x228: {  	v4 =	vld [tilespmem:$0x290];
	_ =	sdelay $0x4  }
0x229: {  	v5 =	vshll.u32 v4, $0x1  }
0x22a: {  	v4 =	vand.u32 $0x7, v4;
	v5 =	vand.u32 $0xFFFFFFF0, v5  }
0x22b: {  	v4 =	vor.u32 v4, v5  }
0x22c: {  	v5 =	vperm.xlane v4, v1;
	_ =	sdelay $0x1  }
0x22d: {  	v4 =	vperm.xlane v4, v3;
	v5 =	vadd.s32 v2, v5;
	_ =	sdelay $0x1  }
0x22e: {  	v4 =	vadd.s32 v2, v4;
	_ =	sdelay $0x2  }
0x22f: {  	[tilespmem:s3], [sflag:$0x3] =	stream.indirect_vreg.gather [hbm4b:s4+s2], $0x80, v5, vm0, $0xb8;
	[tilespmem:$0x18400] =	vst v63  }
0x230: {  	_ = 	snop  }
0x231: {  	[tilespmem:s6], [sflag:$0x3] =	stream.indirect_vreg.gather [hbm4b:s4+s2], $0x80, v4, vm0, $0xb8;
	[tilespmem:$0x18400] =	vst v63  }
0x232: {  	v4 =	vld [tilespmem:$0x2A0];
	_ =	sdelay $0x4  }
0x233: {  	v5 =	vshll.u32 v4, $0x1  }
0x234: {  	v4 =	vand.u32 $0x7, v4;
	v5 =	vand.u32 $0xFFFFFFF0, v5  }
0x235: {  	v4 =	vor.u32 v4, v5  }
0x236: {  	v5 =	vperm.xlane v4, v1;
	_ =	sdelay $0x1  }
0x237: {  	v4 =	vperm.xlane v4, v3;
	v5 =	vadd.s32 v2, v5;
	_ =	sdelay $0x1  }
0x238: {  	v4 =	vadd.s32 v2, v4;
	_ =	sdelay $0x2  }
0x239: {  	[tilespmem:s7], [sflag:$0x3] =	stream.indirect_vreg.gather [hbm4b:s4+s2], $0x80, v5, vm0, $0xb8;
	[tilespmem:$0x18400] =	vst v63  }
0x23a: {  	_ = 	snop  }
0x23b: {  	[tilespmem:s8], [sflag:$0x3] =	stream.indirect_vreg.gather [hbm4b:s4+s2], $0x80, v4, vm0, $0xb8;
	[tilespmem:$0x18400] =	vst v63  }
0x23c: {  	v4 =	vld [tilespmem:$0x2B0];
	_ =	sdelay $0x4  }
0x23d: {  	v5 =	vshll.u32 v4, $0x1  }
0x23e: {  	v4 =	vand.u32 $0x7, v4;
	v5 =	vand.u32 $0xFFFFFFF0, v5  }
0x23f: {  	v4 =	vor.u32 v4, v5  }
0x240: {  	v5 =	vperm.xlane v4, v1;
	_ =	sdelay $0x1  }
0x241: {  	v4 =	vperm.xlane v4, v3;
	v5 =	vadd.s32 v2, v5;
	_ =	sdelay $0x1  }
0x242: {  	v4 =	vadd.s32 v2, v4;
	_ =	sdelay $0x2  }
0x243: {  	[tilespmem:s9], [sflag:$0x3] =	stream.indirect_vreg.gather [hbm4b:s4+s2], $0x80, v5, vm0, $0xb8;
	[tilespmem:$0x18400] =	vst v63  }
0x244: {  	_ = 	snop  }
0x245: {  	[tilespmem:s10], [sflag:$0x3] =	stream.indirect_vreg.gather [hbm4b:s4+s2], $0x80, v4, vm0, $0xb8;
	[tilespmem:$0x18400] =	vst v63  }
0x246: {  	v4 =	vld [tilespmem:$0x2C0];
	_ =	sdelay $0x4  }
0x247: {  	v5 =	vshll.u32 v4, $0x1  }
0x248: {  	v4 =	vand.u32 $0x7, v4;
	v5 =	vand.u32 $0xFFFFFFF0, v5  }
0x249: {  	v4 =	vor.u32 v4, v5  }
0x24a: {  	v5 =	vperm.xlane v4, v1;
	_ =	sdelay $0x1  }
0x24b: {  	v4 =	vperm.xlane v4, v3;
	v5 =	vadd.s32 v2, v5;
	_ =	sdelay $0x1  }
0x24c: {  	v4 =	vadd.s32 v2, v4;
	_ =	sdelay $0x2  }
0x24d: {  	[tilespmem:s11], [sflag:$0x3] =	stream.indirect_vreg.gather [hbm4b:s4+s2], $0x80, v5, vm0, $0xb8;
	[tilespmem:$0x18400] =	vst v63  }
0x24e: {  	_ = 	snop  }
0x24f: {  	[tilespmem:s12], [sflag:$0x3] =	stream.indirect_vreg.gather [hbm4b:s4+s2], $0x80, v4, vm0, $0xb8;
	[tilespmem:$0x18400] =	vst v63  }
0x250: {  	v4 =	vld [tilespmem:$0x2D0];
	_ =	sdelay $0x4  }
0x251: {  	v5 =	vshll.u32 v4, $0x1  }
0x252: {  	v4 =	vand.u32 $0x7, v4;
	v5 =	vand.u32 $0xFFFFFFF0, v5  }
0x253: {  	v4 =	vor.u32 v4, v5  }
0x254: {  	v5 =	vperm.xlane v4, v1;
	_ =	sdelay $0x1  }
0x255: {  	v4 =	vperm.xlane v4, v3;
	v5 =	vadd.s32 v2, v5;
	_ =	sdelay $0x1  }
0x256: {  	v4 =	vadd.s32 v2, v4;
	_ =	sdelay $0x2  }
0x257: {  	[tilespmem:s13], [sflag:$0x3] =	stream.indirect_vreg.gather [hbm4b:s4+s2], $0x80, v5, vm0, $0xb8;
	[tilespmem:$0x18400] =	vst v63  }
0x258: {  	_ = 	snop  }
0x259: {  	[tilespmem:s18], [sflag:$0x3] =	stream.indirect_vreg.gather [hbm4b:s4+s2], $0x80, v4, vm0, $0xb8;
	[tilespmem:$0x18400] =	vst v63  }
0x25a: {  	v4 =	vld [tilespmem:$0x2E0];
	_ =	sdelay $0x4  }
0x25b: {  	v5 =	vshll.u32 v4, $0x1  }
0x25c: {  	v4 =	vand.u32 $0x7, v4;
	v5 =	vand.u32 $0xFFFFFFF0, v5  }
0x25d: {  	v4 =	vor.u32 v4, v5  }
0x25e: {  	v5 =	vperm.xlane v4, v1;
	_ =	sdelay $0x1  }
0x25f: {  	v4 =	vperm.xlane v4, v3;
	v5 =	vadd.s32 v2, v5;
	_ =	sdelay $0x1  }
0x260: {  	v4 =	vadd.s32 v2, v4;
	_ =	sdelay $0x2  }
0x261: {  	[tilespmem:s20], [sflag:$0x3] =	stream.indirect_vreg.gather [hbm4b:s4+s2], $0x80, v5, vm0, $0xb8;
	[tilespmem:$0x18400] =	vst v63  }
0x262: {  	_ = 	snop  }
0x263: {  	[tilespmem:s21], [sflag:$0x3] =	stream.indirect_vreg.gather [hbm4b:s4+s2], $0x80, v4, vm0, $0xb8;
	[tilespmem:$0x18400] =	vst v63  }
0x264: {  	v4 =	vld [tilespmem:$0x2F0];
	_ =	sdelay $0x4  }
0x265: {  	v5 =	vshll.u32 v4, $0x1  }
0x266: {  	v4 =	vand.u32 $0x7, v4;
	v5 =	vand.u32 $0xFFFFFFF0, v5  }
0x267: {  	v4 =	vor.u32 v4, v5  }
0x268: {  	v5 =	vperm.xlane v4, v1;
	_ =	sdelay $0x1  }
0x269: {  	v4 =	vperm.xlane v4, v3;
	v5 =	vadd.s32 v2, v5;
	_ =	sdelay $0x1  }
0x26a: {  	v4 =	vadd.s32 v2, v4;
	_ =	sdelay $0x2  }
0x26b: {  	[tilespmem:s22], [sflag:$0x3] =	stream.indirect_vreg.gather [hbm4b:s4+s2], $0x80, v5, vm0, $0xb8;
	[tilespmem:$0x18400] =	vst v63  }
0x26c: {  	_ = 	snop  }
0x26d: {  	[tilespmem:s24], [sflag:$0x3] =	stream.indirect_vreg.gather [hbm4b:s4+s2], $0x80, v4, vm0, $0xb8;
	[tilespmem:$0x18400] =	vst v63  }
0x26e: {  	_ =	swait.ge [sflag:s14], $0x8000  }
0x26f: {  	[sflag:s14] =	ssyncset.done $0x0  }
0x270: {  	s1 =	rddreg [dreg:$0x7];
	[sflag:s14] =	ssyncadd.s32 $0xFFFF8000  }
0x271: {  	[hbm4b:s1+s2] =	stream.linear.scatter [tilespmem:s16], [sflag:$0x5], $0x8000, $0x38;
	[tilespmem:$0x18400] =	vst v63  }
0x272: {  	_ =	swait.ge [sflag:s15], $0x8000  }
0x273: {  	[sflag:s15] =	ssyncset.done $0x0  }
0x274: {  	[sflag:s15] =	ssyncadd.s32 $0xFFFF8000  }
0x275: {  	v4 =	vld [tilespmem:$0x300];
	_ =	sdelay $0x4  }
0x276: {  	v5 =	vshll.u32 v4, $0x1  }
0x277: {  	v4 =	vand.u32 $0x7, v4;
	v5 =	vand.u32 $0xFFFFFFF0, v5  }
0x278: {  	v4 =	vor.u32 v4, v5  }
0x279: {  	v5 =	vperm.xlane v4, v1;
	_ =	sdelay $0x1  }
0x27a: {  	v4 =	vperm.xlane v4, v3;
	v5 =	vadd.s32 v2, v5;
	_ =	sdelay $0x1  }
0x27b: {  	v4 =	vadd.s32 v2, v4;
	_ =	sdelay $0x2  }
0x27c: {  	[tilespmem:s23], [sflag:$0x1] =	stream.indirect_vreg.gather [hbm4b:s4+s2], $0x80, v5, vm0, $0xb8;
	[tilespmem:$0x18400] =	vst v63  }
0x27d: {  	s19 =	simm.s32 $0xC00  }
0x27e: {  	[tilespmem:s19], [sflag:$0x1] =	stream.indirect_vreg.gather [hbm4b:s4+s2], $0x80, v4, vm0, $0xb8;
	[tilespmem:$0x18400] =	vst v63  }
0x27f: {  	v4 =	vld [tilespmem:$0x310];
	_ =	sdelay $0x4  }
0x280: {  	v5 =	vshll.u32 v4, $0x1  }
0x281: {  	v4 =	vand.u32 $0x7, v4;
	v5 =	vand.u32 $0xFFFFFFF0, v5  }
0x282: {  	v4 =	vor.u32 v4, v5  }
0x283: {  	v5 =	vperm.xlane v4, v1;
	_ =	sdelay $0x1  }
0x284: {  	v4 =	vperm.xlane v4, v3;
	v5 =	vadd.s32 v2, v5;
	_ =	sdelay $0x1  }
0x285: {  	v4 =	vadd.s32 v2, v4;
	_ =	sdelay $0x1  }
0x286: {  	s19 =	simm.s32 $0x1400  }
0x287: {  	[tilespmem:s19], [sflag:$0x1] =	stream.indirect_vreg.gather [hbm4b:s4+s2], $0x80, v5, vm0, $0xb8;
	[tilespmem:$0x18400] =	vst v63  }
0x288: {  	s19 =	simm.s32 $0x1C00  }
0x289: {  	[tilespmem:s19], [sflag:$0x1] =	stream.indirect_vreg.gather [hbm4b:s4+s2], $0x80, v4, vm0, $0xb8;
	[tilespmem:$0x18400] =	vst v63  }
0x28a: {  	v4 =	vld [tilespmem:$0x320];
	_ =	sdelay $0x4  }
0x28b: {  	v5 =	vshll.u32 v4, $0x1  }
0x28c: {  	v4 =	vand.u32 $0x7, v4;
	v5 =	vand.u32 $0xFFFFFFF0, v5  }
0x28d: {  	v4 =	vor.u32 v4, v5  }
0x28e: {  	v5 =	vperm.xlane v4, v1;
	_ =	sdelay $0x1  }
0x28f: {  	v4 =	vperm.xlane v4, v3;
	v5 =	vadd.s32 v2, v5;
	_ =	sdelay $0x1  }
0x290: {  	v4 =	vadd.s32 v2, v4;
	_ =	sdelay $0x1  }
0x291: {  	s19 =	simm.s32 $0x2400  }
0x292: {  	[tilespmem:s19], [sflag:$0x1] =	stream.indirect_vreg.gather [hbm4b:s4+s2], $0x80, v5, vm0, $0xb8;
	[tilespmem:$0x18400] =	vst v63  }
0x293: {  	s19 =	simm.s32 $0x2C00  }
0x294: {  	[tilespmem:s19], [sflag:$0x1] =	stream.indirect_vreg.gather [hbm4b:s4+s2], $0x80, v4, vm0, $0xb8;
	[tilespmem:$0x18400] =	vst v63  }
0x295: {  	v4 =	vld [tilespmem:$0x330];
	_ =	sdelay $0x4  }
0x296: {  	v5 =	vshll.u32 v4, $0x1  }
0x297: {  	v4 =	vand.u32 $0x7, v4;
	v5 =	vand.u32 $0xFFFFFFF0, v5  }
0x298: {  	v4 =	vor.u32 v4, v5  }
0x299: {  	v5 =	vperm.xlane v4, v1;
	_ =	sdelay $0x1  }
0x29a: {  	v4 =	vperm.xlane v4, v3;
	v5 =	vadd.s32 v2, v5;
	_ =	sdelay $0x1  }
0x29b: {  	v4 =	vadd.s32 v2, v4;
	_ =	sdelay $0x1  }
0x29c: {  	s19 =	simm.s32 $0x3400  }
0x29d: {  	[tilespmem:s19], [sflag:$0x1] =	stream.indirect_vreg.gather [hbm4b:s4+s2], $0x80, v5, vm0, $0xb8;
	[tilespmem:$0x18400] =	vst v63  }
0x29e: {  	s19 =	simm.s32 $0x3C00  }
0x29f: {  	[tilespmem:s19], [sflag:$0x1] =	stream.indirect_vreg.gather [hbm4b:s4+s2], $0x80, v4, vm0, $0xb8;
	[tilespmem:$0x18400] =	vst v63  }
0x2a0: {  	v4 =	vld [tilespmem:$0x340];
	_ =	sdelay $0x4  }
0x2a1: {  	v5 =	vshll.u32 v4, $0x1  }
0x2a2: {  	v4 =	vand.u32 $0x7, v4;
	v5 =	vand.u32 $0xFFFFFFF0, v5  }
0x2a3: {  	v4 =	vor.u32 v4, v5  }
0x2a4: {  	v5 =	vperm.xlane v4, v1;
	_ =	sdelay $0x1  }
0x2a5: {  	v4 =	vperm.xlane v4, v3;
	v5 =	vadd.s32 v2, v5;
	_ =	sdelay $0x1  }
0x2a6: {  	v4 =	vadd.s32 v2, v4;
	_ =	sdelay $0x2  }
0x2a7: {  	[tilespmem:s29], [sflag:$0x1] =	stream.indirect_vreg.gather [hbm4b:s4+s2], $0x80, v5, vm0, $0xb8;
	[tilespmem:$0x18400] =	vst v63  }
0x2a8: {  	_ = 	snop  }
0x2a9: {  	[tilespmem:s30], [sflag:$0x1] =	stream.indirect_vreg.gather [hbm4b:s4+s2], $0x80, v4, vm0, $0xb8;
	[tilespmem:$0x18400] =	vst v63  }
0x2aa: {  	v4 =	vld [tilespmem:$0x350];
	_ =	sdelay $0x4  }
0x2ab: {  	v5 =	vshll.u32 v4, $0x1  }
0x2ac: {  	v4 =	vand.u32 $0x7, v4;
	v5 =	vand.u32 $0xFFFFFFF0, v5  }
0x2ad: {  	v4 =	vor.u32 v4, v5  }
0x2ae: {  	v5 =	vperm.xlane v4, v1;
	_ =	sdelay $0x1  }
0x2af: {  	v4 =	vperm.xlane v4, v3;
	v5 =	vadd.s32 v2, v5;
	_ =	sdelay $0x1  }
0x2b0: {  	v4 =	vadd.s32 v2, v4;
	_ =	sdelay $0x2  }
0x2b1: {  	[tilespmem:s31], [sflag:$0x1] =	stream.indirect_vreg.gather [hbm4b:s4+s2], $0x80, v5, vm0, $0xb8;
	[tilespmem:$0x18400] =	vst v63  }
0x2b2: {  	s19 =	simm.s32 $0x5C00  }
0x2b3: {  	[tilespmem:s19], [sflag:$0x1] =	stream.indirect_vreg.gather [hbm4b:s4+s2], $0x80, v4, vm0, $0xb8;
	[tilespmem:$0x18400] =	vst v63  }
0x2b4: {  	v4 =	vld [tilespmem:$0x360];
	_ =	sdelay $0x4  }
0x2b5: {  	v5 =	vshll.u32 v4, $0x1  }
0x2b6: {  	v4 =	vand.u32 $0x7, v4;
	v5 =	vand.u32 $0xFFFFFFF0, v5  }
0x2b7: {  	v4 =	vor.u32 v4, v5  }
0x2b8: {  	v5 =	vperm.xlane v4, v1;
	_ =	sdelay $0x1  }
0x2b9: {  	v4 =	vperm.xlane v4, v3;
	v5 =	vadd.s32 v2, v5;
	_ =	sdelay $0x1  }
0x2ba: {  	v4 =	vadd.s32 v2, v4;
	_ =	sdelay $0x1  }
0x2bb: {  	s19 =	simm.s32 $0x6400  }
0x2bc: {  	[tilespmem:s19], [sflag:$0x1] =	stream.indirect_vreg.gather [hbm4b:s4+s2], $0x80, v5, vm0, $0xb8;
	[tilespmem:$0x18400] =	vst v63  }
0x2bd: {  	s19 =	simm.s32 $0x6C00  }
0x2be: {  	[tilespmem:s19], [sflag:$0x1] =	stream.indirect_vreg.gather [hbm4b:s4+s2], $0x80, v4, vm0, $0xb8;
	[tilespmem:$0x18400] =	vst v63  }
0x2bf: {  	v4 =	vld [tilespmem:$0x370];
	_ =	sdelay $0x4  }
0x2c0: {  	v5 =	vshll.u32 v4, $0x1  }
0x2c1: {  	v4 =	vand.u32 $0x7, v4;
	v5 =	vand.u32 $0xFFFFFFF0, v5  }
0x2c2: {  	v4 =	vor.u32 v4, v5  }
0x2c3: {  	v5 =	vperm.xlane v4, v1;
	_ =	sdelay $0x1  }
0x2c4: {  	v4 =	vperm.xlane v4, v3;
	v5 =	vadd.s32 v2, v5;
	_ =	sdelay $0x1  }
0x2c5: {  	v4 =	vadd.s32 v2, v4;
	_ =	sdelay $0x1  }
0x2c6: {  	s19 =	simm.s32 $0x7400  }
0x2c7: {  	[tilespmem:s19], [sflag:$0x1] =	stream.indirect_vreg.gather [hbm4b:s4+s2], $0x80, v5, vm0, $0xb8;
	[tilespmem:$0x18400] =	vst v63  }
0x2c8: {  	s19 =	simm.s32 $0x7C00  }
0x2c9: {  	[tilespmem:s19], [sflag:$0x1] =	stream.indirect_vreg.gather [hbm4b:s4+s2], $0x80, v4, vm0, $0xb8;
	[tilespmem:$0x18400] =	vst v63  }
0x2ca: {  	_ =	swait.ge [sflag:s25], $0x8000  }
0x2cb: {  	[sflag:s25] =	ssyncset.done $0x0  }
0x2cc: {  	s1 =	rddreg [dreg:$0x8];
	[sflag:s25] =	ssyncadd.s32 $0xFFFF8000  }
0x2cd: {  	[hbm4b:s1+s2] =	stream.linear.scatter [tilespmem:s0], [sflag:$0x6], $0x8000, $0x38;
	[tilespmem:$0x18400] =	vst v63  }
0x2ce: {  	_ =	swait.ge [sflag:s17], $0x8000  }
0x2cf: {  	[sflag:s17] =	ssyncset.done $0x0  }
0x2d0: {  	[sflag:s17] =	ssyncadd.s32 $0xFFFF8000  }
0x2d1: {  	v4 =	vld [tilespmem:$0x380];
	_ =	sdelay $0x4  }
0x2d2: {  	v5 =	vshll.u32 v4, $0x1  }
0x2d3: {  	v4 =	vand.u32 $0x7, v4;
	v5 =	vand.u32 $0xFFFFFFF0, v5  }
0x2d4: {  	v4 =	vor.u32 v4, v5  }
0x2d5: {  	v5 =	vperm.xlane v4, v1;
	_ =	sdelay $0x1  }
0x2d6: {  	v4 =	vperm.xlane v4, v3;
	v5 =	vadd.s32 v2, v5;
	_ =	sdelay $0x1  }
0x2d7: {  	v4 =	vadd.s32 v2, v4;
	_ =	sdelay $0x2  }
0x2d8: {  	[tilespmem:s16], [sflag:$0x2] =	stream.indirect_vreg.gather [hbm4b:s4+s2], $0x80, v5, vm0, $0xb8;
	[tilespmem:$0x18400] =	vst v63  }
0x2d9: {  	s1 =	simm.s32 $0x8C00  }
0x2da: {  	[tilespmem:s1], [sflag:$0x2] =	stream.indirect_vreg.gather [hbm4b:s4+s2], $0x80, v4, vm0, $0xb8;
	[tilespmem:$0x18400] =	vst v63  }
0x2db: {  	v4 =	vld [tilespmem:$0x390];
	_ =	sdelay $0x4  }
0x2dc: {  	v5 =	vshll.u32 v4, $0x1  }
0x2dd: {  	v4 =	vand.u32 $0x7, v4;
	v5 =	vand.u32 $0xFFFFFFF0, v5  }
0x2de: {  	v4 =	vor.u32 v4, v5  }
0x2df: {  	v5 =	vperm.xlane v4, v1;
	_ =	sdelay $0x1  }
0x2e0: {  	v4 =	vperm.xlane v4, v3;
	v5 =	vadd.s32 v2, v5;
	_ =	sdelay $0x1  }
0x2e1: {  	v4 =	vadd.s32 v2, v4;
	_ =	sdelay $0x1  }
0x2e2: {  	s19 =	simm.s32 $0x9400  }
0x2e3: {  	[tilespmem:s19], [sflag:$0x2] =	stream.indirect_vreg.gather [hbm4b:s4+s2], $0x80, v5, vm0, $0xb8;
	[tilespmem:$0x18400] =	vst v63  }
0x2e4: {  	s25 =	simm.s32 $0x9C00  }
0x2e5: {  	[tilespmem:s25], [sflag:$0x2] =	stream.indirect_vreg.gather [hbm4b:s4+s2], $0x80, v4, vm0, $0xb8;
	[tilespmem:$0x18400] =	vst v63  }
0x2e6: {  	v4 =	vld [tilespmem:$0x3A0];
	_ =	sdelay $0x4  }
0x2e7: {  	v5 =	vshll.u32 v4, $0x1  }
0x2e8: {  	v4 =	vand.u32 $0x7, v4;
	v5 =	vand.u32 $0xFFFFFFF0, v5  }
0x2e9: {  	v4 =	vor.u32 v4, v5  }
0x2ea: {  	v5 =	vperm.xlane v4, v1;
	_ =	sdelay $0x1  }
0x2eb: {  	v4 =	vperm.xlane v4, v3;
	v5 =	vadd.s32 v2, v5;
	_ =	sdelay $0x1  }
0x2ec: {  	v4 =	vadd.s32 v2, v4;
	_ =	sdelay $0x1  }
0x2ed: {  	s1 =	simm.s32 $0xA400  }
0x2ee: {  	[tilespmem:s1], [sflag:$0x2] =	stream.indirect_vreg.gather [hbm4b:s4+s2], $0x80, v5, vm0, $0xb8;
	[tilespmem:$0x18400] =	vst v63  }
0x2ef: {  	s19 =	simm.s32 $0xAC00  }
0x2f0: {  	[tilespmem:s19], [sflag:$0x2] =	stream.indirect_vreg.gather [hbm4b:s4+s2], $0x80, v4, vm0, $0xb8;
	[tilespmem:$0x18400] =	vst v63  }
0x2f1: {  	v4 =	vld [tilespmem:$0x3B0];
	_ =	sdelay $0x4  }
0x2f2: {  	v5 =	vshll.u32 v4, $0x1  }
0x2f3: {  	v4 =	vand.u32 $0x7, v4;
	v5 =	vand.u32 $0xFFFFFFF0, v5  }
0x2f4: {  	v4 =	vor.u32 v4, v5  }
0x2f5: {  	v5 =	vperm.xlane v4, v1;
	_ =	sdelay $0x1  }
0x2f6: {  	v4 =	vperm.xlane v4, v3;
	v5 =	vadd.s32 v2, v5;
	_ =	sdelay $0x1  }
0x2f7: {  	v4 =	vadd.s32 v2, v4;
	_ =	sdelay $0x1  }
0x2f8: {  	s25 =	simm.s32 $0xB400  }
0x2f9: {  	[tilespmem:s25], [sflag:$0x2] =	stream.indirect_vreg.gather [hbm4b:s4+s2], $0x80, v5, vm0, $0xb8;
	[tilespmem:$0x18400] =	vst v63  }
0x2fa: {  	s1 =	simm.s32 $0xBC00  }
0x2fb: {  	[tilespmem:s1], [sflag:$0x2] =	stream.indirect_vreg.gather [hbm4b:s4+s2], $0x80, v4, vm0, $0xb8;
	[tilespmem:$0x18400] =	vst v63  }
0x2fc: {  	v4 =	vld [tilespmem:$0x3C0];
	_ =	sdelay $0x4  }
0x2fd: {  	v5 =	vshll.u32 v4, $0x1  }
0x2fe: {  	v4 =	vand.u32 $0x7, v4;
	v5 =	vand.u32 $0xFFFFFFF0, v5  }
0x2ff: {  	v4 =	vor.u32 v4, v5  }
0x300: {  	v5 =	vperm.xlane v4, v1;
	_ =	sdelay $0x1  }
0x301: {  	v4 =	vperm.xlane v4, v3;
	v5 =	vadd.s32 v2, v5;
	_ =	sdelay $0x1  }
0x302: {  	v4 =	vadd.s32 v2, v4;
	_ =	sdelay $0x1  }
0x303: {  	s19 =	simm.s32 $0xC400  }
0x304: {  	[tilespmem:s19], [sflag:$0x2] =	stream.indirect_vreg.gather [hbm4b:s4+s2], $0x80, v5, vm0, $0xb8;
	[tilespmem:$0x18400] =	vst v63  }
0x305: {  	s25 =	simm.s32 $0xCC00  }
0x306: {  	[tilespmem:s25], [sflag:$0x2] =	stream.indirect_vreg.gather [hbm4b:s4+s2], $0x80, v4, vm0, $0xb8;
	[tilespmem:$0x18400] =	vst v63  }
0x307: {  	v4 =	vld [tilespmem:$0x3D0];
	_ =	sdelay $0x4  }
0x308: {  	v5 =	vshll.u32 v4, $0x1  }
0x309: {  	v4 =	vand.u32 $0x7, v4;
	v5 =	vand.u32 $0xFFFFFFF0, v5  }
0x30a: {  	v4 =	vor.u32 v4, v5  }
0x30b: {  	v5 =	vperm.xlane v4, v1;
	_ =	sdelay $0x1  }
0x30c: {  	v4 =	vperm.xlane v4, v3;
	v5 =	vadd.s32 v2, v5;
	_ =	sdelay $0x1  }
0x30d: {  	v4 =	vadd.s32 v2, v4;
	_ =	sdelay $0x1  }
0x30e: {  	s1 =	simm.s32 $0xD400  }
0x30f: {  	[tilespmem:s1], [sflag:$0x2] =	stream.indirect_vreg.gather [hbm4b:s4+s2], $0x80, v5, vm0, $0xb8;
	[tilespmem:$0x18400] =	vst v63  }
0x310: {  	s19 =	simm.s32 $0xDC00  }
0x311: {  	[tilespmem:s19], [sflag:$0x2] =	stream.indirect_vreg.gather [hbm4b:s4+s2], $0x80, v4, vm0, $0xb8;
	[tilespmem:$0x18400] =	vst v63  }
0x312: {  	v4 =	vld [tilespmem:$0x3E0];
	_ =	sdelay $0x4  }
0x313: {  	v5 =	vshll.u32 v4, $0x1  }
0x314: {  	v4 =	vand.u32 $0x7, v4;
	v5 =	vand.u32 $0xFFFFFFF0, v5  }
0x315: {  	v4 =	vor.u32 v4, v5  }
0x316: {  	v5 =	vperm.xlane v4, v1;
	_ =	sdelay $0x1  }
0x317: {  	v4 =	vperm.xlane v4, v3;
	v5 =	vadd.s32 v2, v5;
	_ =	sdelay $0x1  }
0x318: {  	v4 =	vadd.s32 v2, v4;
	_ =	sdelay $0x1  }
0x319: {  	s25 =	simm.s32 $0xE400  }
0x31a: {  	[tilespmem:s25], [sflag:$0x2] =	stream.indirect_vreg.gather [hbm4b:s4+s2], $0x80, v5, vm0, $0xb8;
	[tilespmem:$0x18400] =	vst v63  }
0x31b: {  	s1 =	simm.s32 $0xEC00  }
0x31c: {  	[tilespmem:s1], [sflag:$0x2] =	stream.indirect_vreg.gather [hbm4b:s4+s2], $0x80, v4, vm0, $0xb8;
	[tilespmem:$0x18400] =	vst v63  }
0x31d: {  	v4 =	vld [tilespmem:$0x3F0];
	_ =	sdelay $0x4  }
0x31e: {  	v5 =	vshll.u32 v4, $0x1  }
0x31f: {  	v4 =	vand.u32 $0x7, v4;
	v5 =	vand.u32 $0xFFFFFFF0, v5  }
0x320: {  	v4 =	vor.u32 v4, v5  }
0x321: {  	v5 =	vperm.xlane v4, v1;
	_ =	sdelay $0x1  }
0x322: {  	v4 =	vperm.xlane v4, v3;
	v5 =	vadd.s32 v2, v5;
	_ =	sdelay $0x1  }
0x323: {  	v4 =	vadd.s32 v2, v4;
	_ =	sdelay $0x1  }
0x324: {  	s19 =	simm.s32 $0xF400  }
0x325: {  	[tilespmem:s19], [sflag:$0x2] =	stream.indirect_vreg.gather [hbm4b:s4+s2], $0x80, v5, vm0, $0xb8;
	[tilespmem:$0x18400] =	vst v63  }
0x326: {  	s25 =	simm.s32 $0xFC00  }
0x327: {  	[tilespmem:s25], [sflag:$0x2] =	stream.indirect_vreg.gather [hbm4b:s4+s2], $0x80, v4, vm0, $0xb8;
	[tilespmem:$0x18400] =	vst v63  }
0x328: {  	_ =	swait.ge [sflag:s28], $0x8000  }
0x329: {  	[sflag:s28] =	ssyncset.done $0x0  }
0x32a: {  	s1 =	rddreg [dreg:$0x9];
	[sflag:s28] =	ssyncadd.s32 $0xFFFF8000  }
0x32b: {  	[hbm4b:s1+s2] =	stream.linear.scatter [tilespmem:s23], [sflag:$0x4], $0x8000, $0x38;
	[tilespmem:$0x18400] =	vst v63  }
0x32c: {  	_ =	swait.ge [sflag:s14], $0x8000  }
0x32d: {  	[sflag:s14] =	ssyncset.done $0x0  }
0x32e: {  	s25 =	rddreg [dreg:$0xa];
	[sflag:s14] =	ssyncadd.s32 $0xFFFF8000  }
0x32f: {  	[hbm4b:s25+s2] =	stream.linear.scatter [tilespmem:s16], [sflag:$0x5], $0x8000, $0x38;
	[tilespmem:$0x18400] =	vst v63  }
0x330: {  	_ =	swait.ge [sflag:s26], $0x8000  }
0x331: {  	[sflag:s26] =	ssyncset.done $0x0  }
0x332: {  	[sflag:s26] =	ssyncadd.s32 $0xFFFF8000  }
0x333: {  	p0 =	sne.s32 s5, $0x1;
	_ =	swait.ge [sflag:s15], $0x8000  }
.Ltmp0:
0x334: {  	[sflag:s15] =	ssyncset.done $0x0;
	(pc) =	sbr.rel @p0 .LBB2_1-.Ltmp0, $4  }
0x335: {  	[sflag:s15] =	ssyncadd.s32 $0xFFFF8000  }
0x336: {  	_ =	swait.ge [sflag:s17], $0x8000  }
0x337: {  	[sflag:s17] =	ssyncset.done $0x0  }
0x338: {  	s5 =	sadd.s32 $0xFFFFFFFF, s5;
	[sflag:s17] =	ssyncadd.s32 $0xFFFF8000  }
0x339: {  	_ =	sfence.sel $0x180000  }
0x33a: {  	[bflag:$0x0] =	sbarrier.arrive $0xFFFF  }
0x33b: {  	_ =	strace $0x90000047  }
0x33c: {  	s0 =	stileid.u32;
	[bflag:$0x2] =	sbarrier.arrive $0xFFFF  }
0x33d: {  	p0 =	sne.s32 s0, $0x0;
	s0 =	rddreg [dreg:$0x2]  }
0x33e: {  	s0 =	sadd.s32 @!p0 $0x100000, s0  }
0x33f: {  	[sflag:s0] =	ssyncadd.tile.s32 @!p0 $0x1;
	_ =	shalt  }
.Lfunc_end2:
_tile_overlayer_lowered:
.L_overlay_start_2:
0x340: {  	(tag) =	ssettag $0x2  }
0x341: {  	s0 =	rddreg [dreg:$0x0];
	s2 =	stileid.u32  }
0x342: {  	s1 =	rddreg [dreg:$0x1];
	p0 =	sne.s32 s2, $0x0  }
0x343: {  	s3 =	rddreg [dreg:$0x2];
	[bflag:$0x3] =	sbarrier.arrive $0xFFFF;
	s2 =	simm.s32 @!p0 $0x1C07  }
0x344: {  	[timem:s3], [sflag:s2] =	dma.local @!p0 [hbm:s0], s1  }
0x345: {  	s0 =	simm.s32 @!p0 $0x7  }
0x346: {  	_ =	swait.ge @!p0 [sflag:s0], s1  }
0x347: {  	s1 =	ssub.s32 @!p0 $0x0, s1;
	[sflag:s0] =	ssyncset.done @!p0 $0x0  }
0x348: {  	[sflag:s0] =	ssyncadd.s32 @!p0 s1  }
0x349: {  	[bflag:$0x3] =	sbarrier.arrive $0xFFFF  }
0x34a: {  	_ =	shalt  }

</sc_bundles>
